<compile_context>
chip_gen: v7x
topology: tpu7x:2x2x1
jax: 0.10.2.dev20260603
libtpu: 0.0.44.dev20260713+nightly
codegen_flags: <defaults>
</compile_context>

<pallas_src>
import functools

import jax
import jax.numpy as jnp
from jax import lax
from jax.experimental import pallas as pl
from jax.experimental.pallas import tpu as pltpu
from jax.experimental.pallas import tpu_sc as plsc

N = 10000
E = 320000
D = 128
EMB = 10

NC = 2
NS = 16
L = 16
NW = NC * NS
EPW = E // NW

_MESH = plsc.VectorSubcoreMesh(
    core_axis_name="c", subcore_axis_name="s", num_cores=NC, num_subcores=NS)


def _worker_id():
    return lax.axis_index("s") * NC + lax.axis_index("c")


def _zero_vmem(ref, n):
    def body(i, _):
        ref[pl.ds(i * L, L)] = jnp.zeros((L,), jnp.float32)
        return 0
    lax.fori_loop(0, n // L, body, 0, unroll=8)


@functools.partial(
    pl.kernel,
    out_type=jax.ShapeDtypeStruct((NW * N,), jnp.float32),
    mesh=_MESH,
    compiler_params=pltpu.CompilerParams(needs_layout_passes=False),
    scratch_types=[
        pltpu.VMEM((EPW,), jnp.int32),
        pltpu.VMEM((EPW,), jnp.int32),
        pltpu.VMEM((N,), jnp.float32),
    ],
)
def _deg_pass(row_hbm, col_hbm, out_hbm, row_v, col_v, acc_v):
    wid = _worker_id()
    base = wid * EPW
    pltpu.sync_copy(row_hbm.at[pl.ds(base, EPW)], row_v)
    pltpu.sync_copy(col_hbm.at[pl.ds(base, EPW)], col_v)
    _zero_vmem(acc_v, N)
    ones = jnp.ones((L,), jnp.float32)

    def body(i, _):
        r = row_v[pl.ds(i * L, L)]
        c = col_v[pl.ds(i * L, L)]
        plsc.addupdate_scatter(acc_v, [r], ones, mask=r != c)
        return 0

    lax.fori_loop(0, EPW // L, body, 0, unroll=16)
    pltpu.sync_copy(acc_v, out_hbm.at[pl.ds(wid * N, N)])


@functools.partial(
    pl.kernel,
    out_type=jax.ShapeDtypeStruct((NW * N,), jnp.float32),
    mesh=_MESH,
    compiler_params=pltpu.CompilerParams(needs_layout_passes=False),
    scratch_types=[
        pltpu.VMEM((EPW,), jnp.int32),
        pltpu.VMEM((EPW,), jnp.int32),
        pltpu.VMEM((N,), jnp.float32),
        pltpu.VMEM((N,), jnp.float32),
    ],
)
def _gather_pass(row_hbm, col_hbm, u_hbm, out_hbm, row_v, col_v, u_v, acc_v):
    wid = _worker_id()
    base = wid * EPW
    pltpu.sync_copy(row_hbm.at[pl.ds(base, EPW)], row_v)
    pltpu.sync_copy(col_hbm.at[pl.ds(base, EPW)], col_v)
    pltpu.sync_copy(u_hbm, u_v)
    _zero_vmem(acc_v, N)

    def body(i, _):
        r = row_v[pl.ds(i * L, L)]
        c = col_v[pl.ds(i * L, L)]
        vals = plsc.load_gather(u_v, [r])
        plsc.addupdate_scatter(acc_v, [c], vals, mask=r != c)
        return 0

    lax.fori_loop(0, EPW // L, body, 0, unroll=16)
    pltpu.sync_copy(acc_v, out_hbm.at[pl.ds(wid * N, N)])


def _prep_st_body(x_ref, w01_ref, bm_ref, sa_ref):
    xv = x_ref[...]
    xb = xv.astype(jnp.bfloat16).astype(jnp.float32)
    t = jnp.sum(xb * w01_ref[0:1, :], axis=1)
    s = jnp.sum(xv * w01_ref[1:2, :], axis=1)
    sa_ref[...] = jnp.stack([t + bm_ref[0, 0], s], axis=0)


def _prep_st(x, w01, bm):
    return pl.pallas_call(
        _prep_st_body,
        out_shape=jax.ShapeDtypeStruct((2, N), jnp.float32),
    )(x, w01, bm)


def _prep_u_body(deg_ref, sa_ref, u_ref, ad_ref):
    deg = jnp.sum(deg_ref[...], axis=0)
    safe = jnp.where(deg > 0, deg, 1.0)
    dinv = jnp.where(deg > 0, lax.rsqrt(safe), 0.0)
    u_ref[...] = dinv * sa_ref[1, :]
    ad_ref[...] = jnp.stack([sa_ref[0, :], dinv], axis=0)


def _prep_u(deg_parts, sa):
    return pl.pallas_call(
        _prep_u_body,
        out_shape=(jax.ShapeDtypeStruct((N,), jnp.float32),
                   jax.ShapeDtypeStruct((2, N), jnp.float32)),
    )(deg_parts, sa)


BR = 80
NSTR = 5
GBR = BR * NSTR
NSTEP = N // GBR


def _dense_body(w0_ref, w1_ref, w2_ref, w3_ref, w4_ref, ad_ref, g_ref,
                db_ref, fwt_ref, fb_ref, out_ref, h0_s, emb_s):
    i = pl.program_id(0)

    @pl.when(i == 0)
    def _init():
        g = jnp.sum(g_ref[...], axis=0, keepdims=True)
        h0_s[...] = ad_ref[0:1, :] - ad_ref[1:2, :] * g
        emb_s[...] = jnp.zeros_like(emb_s)

    h0 = h0_s[...]
    acc = emb_s[...]
    for k, w_ref in enumerate((w0_ref, w1_ref, w2_ref, w3_ref, w4_ref)):
        hblk = lax.dot_general(w_ref[...], h0,
                               (((1,), (1,)), ((), ())))
        hrow = hblk[:, 0] + db_ref[pl.ds(k * BR, BR), 0]
        acc += lax.dot_general(hrow[None, :],
                               fwt_ref[pl.ds(k * BR, BR), :],
                               (((1,), (0,)), ((), ())))
    emb_s[...] = acc

    @pl.when(i == NSTEP - 1)
    def _fin():
        out_ref[...] = emb_s[...] + fb_ref[...]


def _dense(dense_W, ad, g_parts, db_col, fwt, fb_row):
    wspec = [pl.BlockSpec((BR, N), functools.partial(
        lambda k, i: (NSTR * i + k, 0), k)) for k in range(NSTR)]
    return pl.pallas_call(
        _dense_body,
        grid=(NSTEP,),
        in_specs=wspec + [
            pl.BlockSpec((2, N), lambda i: (0, 0)),
            pl.BlockSpec((NW, N), lambda i: (0, 0)),
            pl.BlockSpec((GBR, 1), lambda i: (i, 0)),
            pl.BlockSpec((GBR, EMB), lambda i: (i, 0)),
            pl.BlockSpec((1, EMB), lambda i: (0, 0)),
        ],
        out_specs=pl.BlockSpec((1, EMB), lambda i: (0, 0)),
        out_shape=jax.ShapeDtypeStruct((1, EMB), jnp.float32),
        scratch_shapes=[
            pltpu.VMEM((1, N), jnp.float32),
            pltpu.VMEM((1, EMB), jnp.float32),
        ],
    )(dense_W, dense_W, dense_W, dense_W, dense_W, ad, g_parts, db_col,
      fwt, fb_row)


def kernel(x, edge_index, W0, W1, cheb_b, dense_W, dense_b, final_W, final_b):
    row1d = edge_index[0]
    col1d = edge_index[1]
    W0r = W0.astype(jnp.bfloat16).astype(jnp.float32)
    W1r = W1.astype(jnp.bfloat16).astype(jnp.float32)
    w01 = jnp.stack([jnp.mean(W0r, axis=1), jnp.mean(W1r, axis=1)])
    bm = jnp.mean(cheb_b).reshape(1, 1)
    sa = _prep_st(x, w01, bm)
    deg_parts = _deg_pass(row1d, col1d).reshape(NW, N)
    u, ad = _prep_u(deg_parts, sa)
    g_parts = _gather_pass(row1d, col1d, u).reshape(NW, N)
    emb = _dense(dense_W, ad, g_parts,
                 dense_b.reshape(N, 1), final_W.T,
                 final_b.reshape(1, EMB))
    return emb.reshape(EMB)

# --- scband reference (transcript-rebuilt; emitter-appended) ---
"""Pipeline reference for scband-default-gnn-27178553049202 (READ-ONLY COPY).

The authoritative reference and input builder live on the scoring server;
editing this copy changes nothing except your own understanding.
"""

import jax, jax.numpy as jnp
import numpy as np

N = 10000
E = 320000
D = 128
C = 3
EMB = 10


def setup_inputs(seed: int = 0) -> dict:
    key = jax.random.key(seed)
    ks = jax.random.split(key, 10)
    x = jax.random.normal(ks[0], (N, D), dtype=jnp.float32)
    edge_index = jax.random.randint(ks[1], (2, E), 0, N, dtype=jnp.int32)
    # ChebConv K=2: two weight matrices (lins without bias) + one shared bias
    W0 = jax.random.normal(ks[2], (D, C), dtype=jnp.float32) * 0.05
    W1 = jax.random.normal(ks[3], (D, C), dtype=jnp.float32) * 0.05
    cheb_b = jax.random.normal(ks[4], (C,), dtype=jnp.float32) * 0.05
    # dense_layer: Linear(nodes, nodes)
    dense_W = jax.random.normal(ks[5], (N, N), dtype=jnp.float32) * 0.01
    dense_b = jax.random.normal(ks[6], (N,), dtype=jnp.float32) * 0.01
    # final_node_embedding: Linear(nodes, embedding_dims)
    final_W = jax.random.normal(ks[7], (EMB, N), dtype=jnp.float32) * 0.01
    final_b = jax.random.normal(ks[8], (EMB,), dtype=jnp.float32) * 0.01
    return {"x": x, "edge_index": edge_index, "W0": W0, "W1": W1,
            "cheb_b": cheb_b, "dense_W": dense_W, "dense_b": dense_b,
            "final_W": final_W, "final_b": final_b}


def reference(x, edge_index, W0, W1, cheb_b, dense_W, dense_b, final_W, final_b):
    row = edge_index[0]
    col = edge_index[1]
    # ChebConv.__norm__ with normalization='sym', lambda_max=2.0:
    # remove self loops (here: zero their weight), L = I - D^{-1/2} A D^{-1/2},
    # scale 2/lambda_max = 1, subtract 1 on diagonal -> L_hat = -D^{-1/2} A D^{-1/2}
    w = jnp.where(row == col, 0.0, 1.0).astype(jnp.float32)
    deg = jnp.zeros((N,), dtype=jnp.float32).at[row].add(w)
    dinv = jnp.where(deg > 0, 1.0 / jnp.sqrt(jnp.where(deg > 0, deg, 1.0)), 0.0)
    norm = -dinv[row] * w * dinv[col]
    # Chebyshev recursion, K=2
    Tx0 = x
    Tx1 = jnp.zeros_like(x).at[col].add(norm[:, None] * x[row])
    out = Tx0 @ W0 + Tx1 @ W1 + cheb_b  # [N, C]
    # aggr.MeanAggregation()(x, dim=-1) with index=None -> mean over last dim, then squeeze
    h = jnp.mean(out, axis=-1)  # [N]
    # dense_layer: Linear(N, N)
    h = h @ dense_W.T + dense_b  # [N]
    # x.T on 1D is identity; final_node_embedding: Linear(N, EMB)
    emb = h @ final_W.T + final_b  # [EMB]
    return emb

if __name__ == "__main__":
    import jax
    _d = setup_inputs()
    print(jax.jit(kernel)(*tuple(_d.values())))

</pallas_src>

<mosaic_0001>
#map = affine_map<(d0, d1) -> (0)>
module attributes {stable_mosaic.version = 14 : i64} {
  func.func @_gather_pass(%arg0: i32, %arg1: i32, %arg2: memref<320000xi32, #tpu.memory_space<hbm>>, %arg3: memref<320000xi32, #tpu.memory_space<hbm>>, %arg4: memref<10000xf32, #tpu.memory_space<hbm>>, %arg5: memref<320000xf32, #tpu.memory_space<hbm>>, %arg6: memref<10000xi32, #tpu.memory_space<vmem>>, %arg7: memref<10000xi32, #tpu.memory_space<vmem>>, %arg8: memref<10000xf32, #tpu.memory_space<vmem>>, %arg9: memref<10000xf32, #tpu.memory_space<vmem>>) attributes {dimension_semantics = [#tpu.dimension_semantics<core_parallel>, #tpu.dimension_semantics<subcore_parallel>], iteration_bounds = array<i64: 2, 16>, scalar_prefetch = 0 : i64, scratch_operands = 4 : i64, tpu.core_type = #tpu.core_type<sc_vector_subcore>, window_params = [{transform_indices = #map}, {transform_indices = #map}, {transform_indices = #map}, {transform_indices = #map}]} {
    %mul3A = arith.constant 2 : i32
    %mul3A_0 = arith.muli %arg1, %mul3A : i32
    %add3A = arith.addi %mul3A_0, %arg0 : i32
    %mul3A_1 = arith.constant 10000 : i32
    %mul3A_2 = arith.muli %add3A, %mul3A_1 : i32
    "tpu.region"() ({
      %run_scoped3A = tpu.sem_alloc : memref<!tpu.dma_semaphore, #tpu.memory_space<semaphore_mem>>
      %dma_start3A = tpu.memref_slice %arg2[%mul3A_2] : memref<320000xi32, #tpu.memory_space<hbm>> -> memref<10000xi32, #tpu.memory_space<hbm>>
      %dma_start3A_35 = tpu.memref_slice %arg2[%mul3A_2] : memref<320000xi32, #tpu.memory_space<hbm>> -> memref<10000xi32, #tpu.memory_space<hbm>>
      tpu.enqueue_dma source(%dma_start3A_35 : memref<10000xi32, #tpu.memory_space<hbm>>) target(%arg6 : memref<10000xi32, #tpu.memory_space<vmem>>) target_semaphore(%run_scoped3A : memref<!tpu.dma_semaphore, #tpu.memory_space<semaphore_mem>>)
      %dma_wait3A = tpu.memref_slice %arg2[%mul3A_2] : memref<320000xi32, #tpu.memory_space<hbm>> -> memref<10000xi32, #tpu.memory_space<hbm>>
      %dma_wait3A_36 = tpu.memref_slice %arg2[%mul3A_2] : memref<320000xi32, #tpu.memory_space<hbm>> -> memref<10000xi32, #tpu.memory_space<hbm>>
      tpu.wait_dma2 semaphore(%run_scoped3A : memref<!tpu.dma_semaphore, #tpu.memory_space<semaphore_mem>>) src(%dma_wait3A_36 : memref<10000xi32, #tpu.memory_space<hbm>>) dst(%arg6 : memref<10000xi32, #tpu.memory_space<vmem>>)
      tpu.yield
    }) : () -> ()
    "tpu.region"() ({
      %run_scoped3A = tpu.sem_alloc : memref<!tpu.dma_semaphore, #tpu.memory_space<semaphore_mem>>
      %dma_start3A = tpu.memref_slice %arg3[%mul3A_2] : memref<320000xi32, #tpu.memory_space<hbm>> -> memref<10000xi32, #tpu.memory_space<hbm>>
      %dma_start3A_35 = tpu.memref_slice %arg3[%mul3A_2] : memref<320000xi32, #tpu.memory_space<hbm>> -> memref<10000xi32, #tpu.memory_space<hbm>>
      tpu.enqueue_dma source(%dma_start3A_35 : memref<10000xi32, #tpu.memory_space<hbm>>) target(%arg7 : memref<10000xi32, #tpu.memory_space<vmem>>) target_semaphore(%run_scoped3A : memref<!tpu.dma_semaphore, #tpu.memory_space<semaphore_mem>>)
      %dma_wait3A = tpu.memref_slice %arg3[%mul3A_2] : memref<320000xi32, #tpu.memory_space<hbm>> -> memref<10000xi32, #tpu.memory_space<hbm>>
      %dma_wait3A_36 = tpu.memref_slice %arg3[%mul3A_2] : memref<320000xi32, #tpu.memory_space<hbm>> -> memref<10000xi32, #tpu.memory_space<hbm>>
      tpu.wait_dma2 semaphore(%run_scoped3A : memref<!tpu.dma_semaphore, #tpu.memory_space<semaphore_mem>>) src(%dma_wait3A_36 : memref<10000xi32, #tpu.memory_space<hbm>>) dst(%arg7 : memref<10000xi32, #tpu.memory_space<vmem>>)
      tpu.yield
    }) : () -> ()
    "tpu.region"() ({
      %run_scoped3A = tpu.sem_alloc : memref<!tpu.dma_semaphore, #tpu.memory_space<semaphore_mem>>
      tpu.enqueue_dma source(%arg4 : memref<10000xf32, #tpu.memory_space<hbm>>) target(%arg8 : memref<10000xf32, #tpu.memory_space<vmem>>) target_semaphore(%run_scoped3A : memref<!tpu.dma_semaphore, #tpu.memory_space<semaphore_mem>>)
      tpu.wait_dma2 semaphore(%run_scoped3A : memref<!tpu.dma_semaphore, #tpu.memory_space<semaphore_mem>>) src(%arg4 : memref<10000xf32, #tpu.memory_space<hbm>>) dst(%arg8 : memref<10000xf32, #tpu.memory_space<vmem>>)
      tpu.yield
    }) : () -> ()
    %scan3A = arith.constant 0 : i32
    %scan3A_3 = arith.constant 0 : i32
    %scan3A_4 = arith.constant 624 : i32
    %scan3A_5 = arith.addi %scan3A_3, %scan3A_4 : i32
    %scan3A_6 = arith.constant 8 : i32
    %scan3A_7 = scf.for %scan3A_35 = %scan3A_3 to %scan3A_5 step %scan3A_6 iter_args(%scan3A_36 = %scan3A) -> (i32)  : i32 {
      %broadcast_in_dim3A_37 = arith.constant 0.000000e+00 : f32
      %broadcast_in_dim3A_38 = vector.broadcast %broadcast_in_dim3A_37 : f32 to vector<16xf32>
      %mul3A_39 = arith.constant 16 : i32
      %mul3A_40 = arith.muli %scan3A_35, %mul3A_39 : i32
      %swap3A_41 = arith.index_cast %mul3A_40 : i32 to index
      %swap3A_42 = tpu.vector_load %arg9[%swap3A_41] {strides = array<i32>} : memref<10000xf32, #tpu.memory_space<vmem>>, vector<16xf32>,
      tpu.vector_store %arg9[%swap3A_41], %broadcast_in_dim3A_38 {strides = array<i32>} : memref<10000xf32, #tpu.memory_space<vmem>>, vector<16xf32>,
      %scan3A_43 = arith.constant 0 : i32
      %scan3A_44 = arith.constant 1 : i32
      %scan3A_45 = arith.addi %scan3A_35, %scan3A_44 : i32
      %broadcast_in_dim3A_46 = arith.constant 0.000000e+00 : f32
      %broadcast_in_dim3A_47 = vector.broadcast %broadcast_in_dim3A_46 : f32 to vector<16xf32>
      %mul3A_48 = arith.constant 16 : i32
      %mul3A_49 = arith.muli %scan3A_45, %mul3A_48 : i32
      %swap3A_50 = arith.index_cast %mul3A_49 : i32 to index
      %swap3A_51 = tpu.vector_load %arg9[%swap3A_50] {strides = array<i32>} : memref<10000xf32, #tpu.memory_space<vmem>>, vector<16xf32>,
      tpu.vector_store %arg9[%swap3A_50], %broadcast_in_dim3A_47 {strides = array<i32>} : memref<10000xf32, #tpu.memory_space<vmem>>, vector<16xf32>,
      %scan3A_52 = arith.constant 0 : i32
      %scan3A_53 = arith.constant 2 : i32
      %scan3A_54 = arith.addi %scan3A_35, %scan3A_53 : i32
      %broadcast_in_dim3A_55 = arith.constant 0.000000e+00 : f32
      %broadcast_in_dim3A_56 = vector.broadcast %broadcast_in_dim3A_55 : f32 to vector<16xf32>
      %mul3A_57 = arith.constant 16 : i32
      %mul3A_58 = arith.muli %scan3A_54, %mul3A_57 : i32
      %swap3A_59 = arith.index_cast %mul3A_58 : i32 to index
      %swap3A_60 = tpu.vector_load %arg9[%swap3A_59] {strides = array<i32>} : memref<10000xf32, #tpu.memory_space<vmem>>, vector<16xf32>,
      tpu.vector_store %arg9[%swap3A_59], %broadcast_in_dim3A_56 {strides = array<i32>} : memref<10000xf32, #tpu.memory_space<vmem>>, vector<16xf32>,
      %scan3A_61 = arith.constant 0 : i32
      %scan3A_62 = arith.constant 3 : i32
      %scan3A_63 = arith.addi %scan3A_35, %scan3A_62 : i32
      %broadcast_in_dim3A_64 = arith.constant 0.000000e+00 : f32
      %broadcast_in_dim3A_65 = vector.broadcast %broadcast_in_dim3A_64 : f32 to vector<16xf32>
      %mul3A_66 = arith.constant 16 : i32
      %mul3A_67 = arith.muli %scan3A_63, %mul3A_66 : i32
      %swap3A_68 = arith.index_cast %mul3A_67 : i32 to index
      %swap3A_69 = tpu.vector_load %arg9[%swap3A_68] {strides = array<i32>} : memref<10000xf32, #tpu.memory_space<vmem>>, vector<16xf32>,
      tpu.vector_store %arg9[%swap3A_68], %broadcast_in_dim3A_65 {strides = array<i32>} : memref<10000xf32, #tpu.memory_space<vmem>>, vector<16xf32>,
      %scan3A_70 = arith.constant 0 : i32
      %scan3A_71 = arith.constant 4 : i32
      %scan3A_72 = arith.addi %scan3A_35, %scan3A_71 : i32
      %broadcast_in_dim3A_73 = arith.constant 0.000000e+00 : f32
      %broadcast_in_dim3A_74 = vector.broadcast %broadcast_in_dim3A_73 : f32 to vector<16xf32>
      %mul3A_75 = arith.constant 16 : i32
      %mul3A_76 = arith.muli %scan3A_72, %mul3A_75 : i32
      %swap3A_77 = arith.index_cast %mul3A_76 : i32 to index
      %swap3A_78 = tpu.vector_load %arg9[%swap3A_77] {strides = array<i32>} : memref<10000xf32, #tpu.memory_space<vmem>>, vector<16xf32>,
      tpu.vector_store %arg9[%swap3A_77], %broadcast_in_dim3A_74 {strides = array<i32>} : memref<10000xf32, #tpu.memory_space<vmem>>, vector<16xf32>,
      %scan3A_79 = arith.constant 0 : i32
      %scan3A_80 = arith.constant 5 : i32
      %scan3A_81 = arith.addi %scan3A_35, %scan3A_80 : i32
      %broadcast_in_dim3A_82 = arith.constant 0.000000e+00 : f32
      %broadcast_in_dim3A_83 = vector.broadcast %broadcast_in_dim3A_82 : f32 to vector<16xf32>
      %mul3A_84 = arith.constant 16 : i32
      %mul3A_85 = arith.muli %scan3A_81, %mul3A_84 : i32
      %swap3A_86 = arith.index_cast %mul3A_85 : i32 to index
      %swap3A_87 = tpu.vector_load %arg9[%swap3A_86] {strides = array<i32>} : memref<10000xf32, #tpu.memory_space<vmem>>, vector<16xf32>,
      tpu.vector_store %arg9[%swap3A_86], %broadcast_in_dim3A_83 {strides = array<i32>} : memref<10000xf32, #tpu.memory_space<vmem>>, vector<16xf32>,
      %scan3A_88 = arith.constant 0 : i32
      %scan3A_89 = arith.constant 6 : i32
      %scan3A_90 = arith.addi %scan3A_35, %scan3A_89 : i32
      %broadcast_in_dim3A_91 = arith.constant 0.000000e+00 : f32
      %broadcast_in_dim3A_92 = vector.broadcast %broadcast_in_dim3A_91 : f32 to vector<16xf32>
      %mul3A_93 = arith.constant 16 : i32
      %mul3A_94 = arith.muli %scan3A_90, %mul3A_93 : i32
      %swap3A_95 = arith.index_cast %mul3A_94 : i32 to index
      %swap3A_96 = tpu.vector_load %arg9[%swap3A_95] {strides = array<i32>} : memref<10000xf32, #tpu.memory_space<vmem>>, vector<16xf32>,
      tpu.vector_store %arg9[%swap3A_95], %broadcast_in_dim3A_92 {strides = array<i32>} : memref<10000xf32, #tpu.memory_space<vmem>>, vector<16xf32>,
      %scan3A_97 = arith.constant 0 : i32
      %scan3A_98 = arith.constant 7 : i32
      %scan3A_99 = arith.addi %scan3A_35, %scan3A_98 : i32
      %broadcast_in_dim3A_100 = arith.constant 0.000000e+00 : f32
      %broadcast_in_dim3A_101 = vector.broadcast %broadcast_in_dim3A_100 : f32 to vector<16xf32>
      %mul3A_102 = arith.constant 16 : i32
      %mul3A_103 = arith.muli %scan3A_99, %mul3A_102 : i32
      %swap3A_104 = arith.index_cast %mul3A_103 : i32 to index
      %swap3A_105 = tpu.vector_load %arg9[%swap3A_104] {strides = array<i32>} : memref<10000xf32, #tpu.memory_space<vmem>>, vector<16xf32>,
      tpu.vector_store %arg9[%swap3A_104], %broadcast_in_dim3A_101 {strides = array<i32>} : memref<10000xf32, #tpu.memory_space<vmem>>, vector<16xf32>,
      %scan3A_106 = arith.constant 0 : i32
      scf.yield %scan3A_106 : i32
    }
    %scan3A_8 = arith.constant 624 : i32
    %scan3A_9 = arith.addi %scan3A_3, %scan3A_8 : i32
    %broadcast_in_dim3A = arith.constant 0.000000e+00 : f32
    %broadcast_in_dim3A_10 = vector.broadcast %broadcast_in_dim3A : f32 to vector<16xf32>
    %mul3A_11 = arith.constant 16 : i32
    %mul3A_12 = arith.muli %scan3A_9, %mul3A_11 : i32
    %swap3A = arith.index_cast %mul3A_12 : i32 to index
    %swap3A_13 = tpu.vector_load %arg9[%swap3A] {strides = array<i32>} : memref<10000xf32, #tpu.memory_space<vmem>>, vector<16xf32>,
    tpu.vector_store %arg9[%swap3A], %broadcast_in_dim3A_10 {strides = array<i32>} : memref<10000xf32, #tpu.memory_space<vmem>>, vector<16xf32>,
    %scan3A_14 = arith.constant 0 : i32
    %scan3A_15 = arith.constant 625 : i32
    %scan3A_16 = arith.constant 0 : i32
    %scan3A_17 = arith.constant 0 : i32
    %scan3A_18 = arith.constant 624 : i32
    %scan3A_19 = arith.addi %scan3A_17, %scan3A_18 : i32
    %scan3A_20 = arith.constant 16 : i32
    %scan3A_21 = scf.for %scan3A_35 = %scan3A_17 to %scan3A_19 step %scan3A_20 iter_args(%scan3A_36 = %scan3A_16) -> (i32)  : i32 {
      %mul3A_37 = arith.constant 16 : i32
      %mul3A_38 = arith.muli %scan3A_35, %mul3A_37 : i32
      %get3A_39 = arith.index_cast %mul3A_38 : i32 to index
      %get3A_40 = tpu.vector_load %arg6[%get3A_39] {strides = array<i32>} : memref<10000xi32, #tpu.memory_space<vmem>>, vector<16xi32>,
      %mul3A_41 = arith.constant 16 : i32
      %mul3A_42 = arith.muli %scan3A_35, %mul3A_41 : i32
      %get3A_43 = arith.index_cast %mul3A_42 : i32 to index
      %get3A_44 = tpu.vector_load %arg7[%get3A_43] {strides = array<i32>} : memref<10000xi32, #tpu.memory_space<vmem>>, vector<16xi32>,
      %gather3A_45 = tpu.vector_load_idx %arg8[%get3A_40] : memref<10000xf32, #tpu.memory_space<vmem>>[vector<16xi32>], vector<16xf32>,
      %ne3A_46 = arith.cmpi ne, %get3A_40, %get3A_44 : vector<16xi32>
      tpu.vector_store_idx %arg9[%get3A_44], %gather3A_45 masked %ne3A_46 {add = true} : memref<10000xf32, #tpu.memory_space<vmem>>[vector<16xi32>], vector<16xf32>, vector<16xi1>
      %scan3A_47 = arith.constant 0 : i32
      %scan3A_48 = arith.constant 1 : i32
      %scan3A_49 = arith.addi %scan3A_35, %scan3A_48 : i32
      %mul3A_50 = arith.constant 16 : i32
      %mul3A_51 = arith.muli %scan3A_49, %mul3A_50 : i32
      %get3A_52 = arith.index_cast %mul3A_51 : i32 to index
      %get3A_53 = tpu.vector_load %arg6[%get3A_52] {strides = array<i32>} : memref<10000xi32, #tpu.memory_space<vmem>>, vector<16xi32>,
      %mul3A_54 = arith.constant 16 : i32
      %mul3A_55 = arith.muli %scan3A_49, %mul3A_54 : i32
      %get3A_56 = arith.index_cast %mul3A_55 : i32 to index
      %get3A_57 = tpu.vector_load %arg7[%get3A_56] {strides = array<i32>} : memref<10000xi32, #tpu.memory_space<vmem>>, vector<16xi32>,
      %gather3A_58 = tpu.vector_load_idx %arg8[%get3A_53] : memref<10000xf32, #tpu.memory_space<vmem>>[vector<16xi32>], vector<16xf32>,
      %ne3A_59 = arith.cmpi ne, %get3A_53, %get3A_57 : vector<16xi32>
      tpu.vector_store_idx %arg9[%get3A_57], %gather3A_58 masked %ne3A_59 {add = true} : memref<10000xf32, #tpu.memory_space<vmem>>[vector<16xi32>], vector<16xf32>, vector<16xi1>
      %scan3A_60 = arith.constant 0 : i32
      %scan3A_61 = arith.constant 2 : i32
      %scan3A_62 = arith.addi %scan3A_35, %scan3A_61 : i32
      %mul3A_63 = arith.constant 16 : i32
      %mul3A_64 = arith.muli %scan3A_62, %mul3A_63 : i32
      %get3A_65 = arith.index_cast %mul3A_64 : i32 to index
      %get3A_66 = tpu.vector_load %arg6[%get3A_65] {strides = array<i32>} : memref<10000xi32, #tpu.memory_space<vmem>>, vector<16xi32>,
      %mul3A_67 = arith.constant 16 : i32
      %mul3A_68 = arith.muli %scan3A_62, %mul3A_67 : i32
      %get3A_69 = arith.index_cast %mul3A_68 : i32 to index
      %get3A_70 = tpu.vector_load %arg7[%get3A_69] {strides = array<i32>} : memref<10000xi32, #tpu.memory_space<vmem>>, vector<16xi32>,
      %gather3A_71 = tpu.vector_load_idx %arg8[%get3A_66] : memref<10000xf32, #tpu.memory_space<vmem>>[vector<16xi32>], vector<16xf32>,
      %ne3A_72 = arith.cmpi ne, %get3A_66, %get3A_70 : vector<16xi32>
      tpu.vector_store_idx %arg9[%get3A_70], %gather3A_71 masked %ne3A_72 {add = true} : memref<10000xf32, #tpu.memory_space<vmem>>[vector<16xi32>], vector<16xf32>, vector<16xi1>
      %scan3A_73 = arith.constant 0 : i32
      %scan3A_74 = arith.constant 3 : i32
      %scan3A_75 = arith.addi %scan3A_35, %scan3A_74 : i32
      %mul3A_76 = arith.constant 16 : i32
      %mul3A_77 = arith.muli %scan3A_75, %mul3A_76 : i32
      %get3A_78 = arith.index_cast %mul3A_77 : i32 to index
      %get3A_79 = tpu.vector_load %arg6[%get3A_78] {strides = array<i32>} : memref<10000xi32, #tpu.memory_space<vmem>>, vector<16xi32>,
      %mul3A_80 = arith.constant 16 : i32
      %mul3A_81 = arith.muli %scan3A_75, %mul3A_80 : i32
      %get3A_82 = arith.index_cast %mul3A_81 : i32 to index
      %get3A_83 = tpu.vector_load %arg7[%get3A_82] {strides = array<i32>} : memref<10000xi32, #tpu.memory_space<vmem>>, vector<16xi32>,
      %gather3A_84 = tpu.vector_load_idx %arg8[%get3A_79] : memref<10000xf32, #tpu.memory_space<vmem>>[vector<16xi32>], vector<16xf32>,
      %ne3A_85 = arith.cmpi ne, %get3A_79, %get3A_83 : vector<16xi32>
      tpu.vector_store_idx %arg9[%get3A_83], %gather3A_84 masked %ne3A_85 {add = true} : memref<10000xf32, #tpu.memory_space<vmem>>[vector<16xi32>], vector<16xf32>, vector<16xi1>
      %scan3A_86 = arith.constant 0 : i32
      %scan3A_87 = arith.constant 4 : i32
      %scan3A_88 = arith.addi %scan3A_35, %scan3A_87 : i32
      %mul3A_89 = arith.constant 16 : i32
      %mul3A_90 = arith.muli %scan3A_88, %mul3A_89 : i32
      %get3A_91 = arith.index_cast %mul3A_90 : i32 to index
      %get3A_92 = tpu.vector_load %arg6[%get3A_91] {strides = array<i32>} : memref<10000xi32, #tpu.memory_space<vmem>>, vector<16xi32>,
      %mul3A_93 = arith.constant 16 : i32
      %mul3A_94 = arith.muli %scan3A_88, %mul3A_93 : i32
      %get3A_95 = arith.index_cast %mul3A_94 : i32 to index
      %get3A_96 = tpu.vector_load %arg7[%get3A_95] {strides = array<i32>} : memref<10000xi32, #tpu.memory_space<vmem>>, vector<16xi32>,
      %gather3A_97 = tpu.vector_load_idx %arg8[%get3A_92] : memref<10000xf32, #tpu.memory_space<vmem>>[vector<16xi32>], vector<16xf32>,
      %ne3A_98 = arith.cmpi ne, %get3A_92, %get3A_96 : vector<16xi32>
      tpu.vector_store_idx %arg9[%get3A_96], %gather3A_97 masked %ne3A_98 {add = true} : memref<10000xf32, #tpu.memory_space<vmem>>[vector<16xi32>], vector<16xf32>, vector<16xi1>
      %scan3A_99 = arith.constant 0 : i32
      %scan3A_100 = arith.constant 5 : i32
      %scan3A_101 = arith.addi %scan3A_35, %scan3A_100 : i32
      %mul3A_102 = arith.constant 16 : i32
      %mul3A_103 = arith.muli %scan3A_101, %mul3A_102 : i32
      %get3A_104 = arith.index_cast %mul3A_103 : i32 to index
      %get3A_105 = tpu.vector_load %arg6[%get3A_104] {strides = array<i32>} : memref<10000xi32, #tpu.memory_space<vmem>>, vector<16xi32>,
      %mul3A_106 = arith.constant 16 : i32
      %mul3A_107 = arith.muli %scan3A_101, %mul3A_106 : i32
      %get3A_108 = arith.index_cast %mul3A_107 : i32 to index
      %get3A_109 = tpu.vector_load %arg7[%get3A_108] {strides = array<i32>} : memref<10000xi32, #tpu.memory_space<vmem>>, vector<16xi32>,
      %gather3A_110 = tpu.vector_load_idx %arg8[%get3A_105] : memref<10000xf32, #tpu.memory_space<vmem>>[vector<16xi32>], vector<16xf32>,
      %ne3A_111 = arith.cmpi ne, %get3A_105, %get3A_109 : vector<16xi32>
      tpu.vector_store_idx %arg9[%get3A_109], %gather3A_110 masked %ne3A_111 {add = true} : memref<10000xf32, #tpu.memory_space<vmem>>[vector<16xi32>], vector<16xf32>, vector<16xi1>
      %scan3A_112 = arith.constant 0 : i32
      %scan3A_113 = arith.constant 6 : i32
      %scan3A_114 = arith.addi %scan3A_35, %scan3A_113 : i32
      %mul3A_115 = arith.constant 16 : i32
      %mul3A_116 = arith.muli %scan3A_114, %mul3A_115 : i32
      %get3A_117 = arith.index_cast %mul3A_116 : i32 to index
      %get3A_118 = tpu.vector_load %arg6[%get3A_117] {strides = array<i32>} : memref<10000xi32, #tpu.memory_space<vmem>>, vector<16xi32>,
      %mul3A_119 = arith.constant 16 : i32
      %mul3A_120 = arith.muli %scan3A_114, %mul3A_119 : i32
      %get3A_121 = arith.index_cast %mul3A_120 : i32 to index
      %get3A_122 = tpu.vector_load %arg7[%get3A_121] {strides = array<i32>} : memref<10000xi32, #tpu.memory_space<vmem>>, vector<16xi32>,
      %gather3A_123 = tpu.vector_load_idx %arg8[%get3A_118] : memref<10000xf32, #tpu.memory_space<vmem>>[vector<16xi32>], vector<16xf32>,
      %ne3A_124 = arith.cmpi ne, %get3A_118, %get3A_122 : vector<16xi32>
      tpu.vector_store_idx %arg9[%get3A_122], %gather3A_123 masked %ne3A_124 {add = true} : memref<10000xf32, #tpu.memory_space<vmem>>[vector<16xi32>], vector<16xf32>, vector<16xi1>
      %scan3A_125 = arith.constant 0 : i32
      %scan3A_126 = arith.constant 7 : i32
      %scan3A_127 = arith.addi %scan3A_35, %scan3A_126 : i32
      %mul3A_128 = arith.constant 16 : i32
      %mul3A_129 = arith.muli %scan3A_127, %mul3A_128 : i32
      %get3A_130 = arith.index_cast %mul3A_129 : i32 to index
      %get3A_131 = tpu.vector_load %arg6[%get3A_130] {strides = array<i32>} : memref<10000xi32, #tpu.memory_space<vmem>>, vector<16xi32>,
      %mul3A_132 = arith.constant 16 : i32
      %mul3A_133 = arith.muli %scan3A_127, %mul3A_132 : i32
      %get3A_134 = arith.index_cast %mul3A_133 : i32 to index
      %get3A_135 = tpu.vector_load %arg7[%get3A_134] {strides = array<i32>} : memref<10000xi32, #tpu.memory_space<vmem>>, vector<16xi32>,
      %gather3A_136 = tpu.vector_load_idx %arg8[%get3A_131] : memref<10000xf32, #tpu.memory_space<vmem>>[vector<16xi32>], vector<16xf32>,
      %ne3A_137 = arith.cmpi ne, %get3A_131, %get3A_135 : vector<16xi32>
      tpu.vector_store_idx %arg9[%get3A_135], %gather3A_136 masked %ne3A_137 {add = true} : memref<10000xf32, #tpu.memory_space<vmem>>[vector<16xi32>], vector<16xf32>, vector<16xi1>
      %scan3A_138 = arith.constant 0 : i32
      %scan3A_139 = arith.constant 8 : i32
      %scan3A_140 = arith.addi %scan3A_35, %scan3A_139 : i32
      %mul3A_141 = arith.constant 16 : i32
      %mul3A_142 = arith.muli %scan3A_140, %mul3A_141 : i32
      %get3A_143 = arith.index_cast %mul3A_142 : i32 to index
      %get3A_144 = tpu.vector_load %arg6[%get3A_143] {strides = array<i32>} : memref<10000xi32, #tpu.memory_space<vmem>>, vector<16xi32>,
      %mul3A_145 = arith.constant 16 : i32
      %mul3A_146 = arith.muli %scan3A_140, %mul3A_145 : i32
      %get3A_147 = arith.index_cast %mul3A_146 : i32 to index
      %get3A_148 = tpu.vector_load %arg7[%get3A_147] {strides = array<i32>} : memref<10000xi32, #tpu.memory_space<vmem>>, vector<16xi32>,
      %gather3A_149 = tpu.vector_load_idx %arg8[%get3A_144] : memref<10000xf32, #tpu.memory_space<vmem>>[vector<16xi32>], vector<16xf32>,
      %ne3A_150 = arith.cmpi ne, %get3A_144, %get3A_148 : vector<16xi32>
      tpu.vector_store_idx %arg9[%get3A_148], %gather3A_149 masked %ne3A_150 {add = true} : memref<10000xf32, #tpu.memory_space<vmem>>[vector<16xi32>], vector<16xf32>, vector<16xi1>
      %scan3A_151 = arith.constant 0 : i32
      %scan3A_152 = arith.constant 9 : i32
      %scan3A_153 = arith.addi %scan3A_35, %scan3A_152 : i32
      %mul3A_154 = arith.constant 16 : i32
      %mul3A_155 = arith.muli %scan3A_153, %mul3A_154 : i32
      %get3A_156 = arith.index_cast %mul3A_155 : i32 to index
      %get3A_157 = tpu.vector_load %arg6[%get3A_156] {strides = array<i32>} : memref<10000xi32, #tpu.memory_space<vmem>>, vector<16xi32>,
      %mul3A_158 = arith.constant 16 : i32
      %mul3A_159 = arith.muli %scan3A_153, %mul3A_158 : i32
      %get3A_160 = arith.index_cast %mul3A_159 : i32 to index
      %get3A_161 = tpu.vector_load %arg7[%get3A_160] {strides = array<i32>} : memref<10000xi32, #tpu.memory_space<vmem>>, vector<16xi32>,
      %gather3A_162 = tpu.vector_load_idx %arg8[%get3A_157] : memref<10000xf32, #tpu.memory_space<vmem>>[vector<16xi32>], vector<16xf32>,
      %ne3A_163 = arith.cmpi ne, %get3A_157, %get3A_161 : vector<16xi32>
      tpu.vector_store_idx %arg9[%get3A_161], %gather3A_162 masked %ne3A_163 {add = true} : memref<10000xf32, #tpu.memory_space<vmem>>[vector<16xi32>], vector<16xf32>, vector<16xi1>
      %scan3A_164 = arith.constant 0 : i32
      %scan3A_165 = arith.constant 10 : i32
      %scan3A_166 = arith.addi %scan3A_35, %scan3A_165 : i32
      %mul3A_167 = arith.constant 16 : i32
      %mul3A_168 = arith.muli %scan3A_166, %mul3A_167 : i32
      %get3A_169 = arith.index_cast %mul3A_168 : i32 to index
      %get3A_170 = tpu.vector_load %arg6[%get3A_169] {strides = array<i32>} : memref<10000xi32, #tpu.memory_space<vmem>>, vector<16xi32>,
      %mul3A_171 = arith.constant 16 : i32
      %mul3A_172 = arith.muli %scan3A_166, %mul3A_171 : i32
      %get3A_173 = arith.index_cast %mul3A_172 : i32 to index
      %get3A_174 = tpu.vector_load %arg7[%get3A_173] {strides = array<i32>} : memref<10000xi32, #tpu.memory_space<vmem>>, vector<16xi32>,
      %gather3A_175 = tpu.vector_load_idx %arg8[%get3A_170] : memref<10000xf32, #tpu.memory_space<vmem>>[vector<16xi32>], vector<16xf32>,
      %ne3A_176 = arith.cmpi ne, %get3A_170, %get3A_174 : vector<16xi32>
      tpu.vector_store_idx %arg9[%get3A_174], %gather3A_175 masked %ne3A_176 {add = true} : memref<10000xf32, #tpu.memory_space<vmem>>[vector<16xi32>], vector<16xf32>, vector<16xi1>
      %scan3A_177 = arith.constant 0 : i32
      %scan3A_178 = arith.constant 11 : i32
      %scan3A_179 = arith.addi %scan3A_35, %scan3A_178 : i32
      %mul3A_180 = arith.constant 16 : i32
      %mul3A_181 = arith.muli %scan3A_179, %mul3A_180 : i32
      %get3A_182 = arith.index_cast %mul3A_181 : i32 to index
      %get3A_183 = tpu.vector_load %arg6[%get3A_182] {strides = array<i32>} : memref<10000xi32, #tpu.memory_space<vmem>>, vector<16xi32>,
      %mul3A_184 = arith.constant 16 : i32
      %mul3A_185 = arith.muli %scan3A_179, %mul3A_184 : i32
      %get3A_186 = arith.index_cast %mul3A_185 : i32 to index
      %get3A_187 = tpu.vector_load %arg7[%get3A_186] {strides = array<i32>} : memref<10000xi32, #tpu.memory_space<vmem>>, vector<16xi32>,
      %gather3A_188 = tpu.vector_load_idx %arg8[%get3A_183] : memref<10000xf32, #tpu.memory_space<vmem>>[vector<16xi32>], vector<16xf32>,
      %ne3A_189 = arith.cmpi ne, %get3A_183, %get3A_187 : vector<16xi32>
      tpu.vector_store_idx %arg9[%get3A_187], %gather3A_188 masked %ne3A_189 {add = true} : memref<10000xf32, #tpu.memory_space<vmem>>[vector<16xi32>], vector<16xf32>, vector<16xi1>
      %scan3A_190 = arith.constant 0 : i32
      %scan3A_191 = arith.constant 12 : i32
      %scan3A_192 = arith.addi %scan3A_35, %scan3A_191 : i32
      %mul3A_193 = arith.constant 16 : i32
      %mul3A_194 = arith.muli %scan3A_192, %mul3A_193 : i32
      %get3A_195 = arith.index_cast %mul3A_194 : i32 to index
      %get3A_196 = tpu.vector_load %arg6[%get3A_195] {strides = array<i32>} : memref<10000xi32, #tpu.memory_space<vmem>>, vector<16xi32>,
      %mul3A_197 = arith.constant 16 : i32
      %mul3A_198 = arith.muli %scan3A_192, %mul3A_197 : i32
      %get3A_199 = arith.index_cast %mul3A_198 : i32 to index
      %get3A_200 = tpu.vector_load %arg7[%get3A_199] {strides = array<i32>} : memref<10000xi32, #tpu.memory_space<vmem>>, vector<16xi32>,
      %gather3A_201 = tpu.vector_load_idx %arg8[%get3A_196] : memref<10000xf32, #tpu.memory_space<vmem>>[vector<16xi32>], vector<16xf32>,
      %ne3A_202 = arith.cmpi ne, %get3A_196, %get3A_200 : vector<16xi32>
      tpu.vector_store_idx %arg9[%get3A_200], %gather3A_201 masked %ne3A_202 {add = true} : memref<10000xf32, #tpu.memory_space<vmem>>[vector<16xi32>], vector<16xf32>, vector<16xi1>
      %scan3A_203 = arith.constant 0 : i32
      %scan3A_204 = arith.constant 13 : i32
      %scan3A_205 = arith.addi %scan3A_35, %scan3A_204 : i32
      %mul3A_206 = arith.constant 16 : i32
      %mul3A_207 = arith.muli %scan3A_205, %mul3A_206 : i32
      %get3A_208 = arith.index_cast %mul3A_207 : i32 to index
      %get3A_209 = tpu.vector_load %arg6[%get3A_208] {strides = array<i32>} : memref<10000xi32, #tpu.memory_space<vmem>>, vector<16xi32>,
      %mul3A_210 = arith.constant 16 : i32
      %mul3A_211 = arith.muli %scan3A_205, %mul3A_210 : i32
      %get3A_212 = arith.index_cast %mul3A_211 : i32 to index
      %get3A_213 = tpu.vector_load %arg7[%get3A_212] {strides = array<i32>} : memref<10000xi32, #tpu.memory_space<vmem>>, vector<16xi32>,
      %gather3A_214 = tpu.vector_load_idx %arg8[%get3A_209] : memref<10000xf32, #tpu.memory_space<vmem>>[vector<16xi32>], vector<16xf32>,
      %ne3A_215 = arith.cmpi ne, %get3A_209, %get3A_213 : vector<16xi32>
      tpu.vector_store_idx %arg9[%get3A_213], %gather3A_214 masked %ne3A_215 {add = true} : memref<10000xf32, #tpu.memory_space<vmem>>[vector<16xi32>], vector<16xf32>, vector<16xi1>
      %scan3A_216 = arith.constant 0 : i32
      %scan3A_217 = arith.constant 14 : i32
      %scan3A_218 = arith.addi %scan3A_35, %scan3A_217 : i32
      %mul3A_219 = arith.constant 16 : i32
      %mul3A_220 = arith.muli %scan3A_218, %mul3A_219 : i32
      %get3A_221 = arith.index_cast %mul3A_220 : i32 to index
      %get3A_222 = tpu.vector_load %arg6[%get3A_221] {strides = array<i32>} : memref<10000xi32, #tpu.memory_space<vmem>>, vector<16xi32>,
      %mul3A_223 = arith.constant 16 : i32
      %mul3A_224 = arith.muli %scan3A_218, %mul3A_223 : i32
      %get3A_225 = arith.index_cast %mul3A_224 : i32 to index
      %get3A_226 = tpu.vector_load %arg7[%get3A_225] {strides = array<i32>} : memref<10000xi32, #tpu.memory_space<vmem>>, vector<16xi32>,
      %gather3A_227 = tpu.vector_load_idx %arg8[%get3A_222] : memref<10000xf32, #tpu.memory_space<vmem>>[vector<16xi32>], vector<16xf32>,
      %ne3A_228 = arith.cmpi ne, %get3A_222, %get3A_226 : vector<16xi32>
      tpu.vector_store_idx %arg9[%get3A_226], %gather3A_227 masked %ne3A_228 {add = true} : memref<10000xf32, #tpu.memory_space<vmem>>[vector<16xi32>], vector<16xf32>, vector<16xi1>
      %scan3A_229 = arith.constant 0 : i32
      %scan3A_230 = arith.constant 15 : i32
      %scan3A_231 = arith.addi %scan3A_35, %scan3A_230 : i32
      %mul3A_232 = arith.constant 16 : i32
      %mul3A_233 = arith.muli %scan3A_231, %mul3A_232 : i32
      %get3A_234 = arith.index_cast %mul3A_233 : i32 to index
      %get3A_235 = tpu.vector_load %arg6[%get3A_234] {strides = array<i32>} : memref<10000xi32, #tpu.memory_space<vmem>>, vector<16xi32>,
      %mul3A_236 = arith.constant 16 : i32
      %mul3A_237 = arith.muli %scan3A_231, %mul3A_236 : i32
      %get3A_238 = arith.index_cast %mul3A_237 : i32 to index
      %get3A_239 = tpu.vector_load %arg7[%get3A_238] {strides = array<i32>} : memref<10000xi32, #tpu.memory_space<vmem>>, vector<16xi32>,
      %gather3A_240 = tpu.vector_load_idx %arg8[%get3A_235] : memref<10000xf32, #tpu.memory_space<vmem>>[vector<16xi32>], vector<16xf32>,
      %ne3A_241 = arith.cmpi ne, %get3A_235, %get3A_239 : vector<16xi32>
      tpu.vector_store_idx %arg9[%get3A_239], %gather3A_240 masked %ne3A_241 {add = true} : memref<10000xf32, #tpu.memory_space<vmem>>[vector<16xi32>], vector<16xf32>, vector<16xi1>
      %scan3A_242 = arith.constant 0 : i32
      scf.yield %scan3A_242 : i32
    }
    %scan3A_22 = arith.constant 624 : i32
    %scan3A_23 = arith.addi %scan3A_17, %scan3A_22 : i32
    %mul3A_24 = arith.constant 16 : i32
    %mul3A_25 = arith.muli %scan3A_23, %mul3A_24 : i32
    %get3A = arith.index_cast %mul3A_25 : i32 to index
    %get3A_26 = tpu.vector_load %arg6[%get3A] {strides = array<i32>} : memref<10000xi32, #tpu.memory_space<vmem>>, vector<16xi32>,
    %mul3A_27 = arith.constant 16 : i32
    %mul3A_28 = arith.muli %scan3A_23, %mul3A_27 : i32
    %get3A_29 = arith.index_cast %mul3A_28 : i32 to index
    %get3A_30 = tpu.vector_load %arg7[%get3A_29] {strides = array<i32>} : memref<10000xi32, #tpu.memory_space<vmem>>, vector<16xi32>,
    %gather3A = tpu.vector_load_idx %arg8[%get3A_26] : memref<10000xf32, #tpu.memory_space<vmem>>[vector<16xi32>], vector<16xf32>,
    %ne3A = arith.cmpi ne, %get3A_26, %get3A_30 : vector<16xi32>
    tpu.vector_store_idx %arg9[%get3A_30], %gather3A masked %ne3A {add = true} : memref<10000xf32, #tpu.memory_space<vmem>>[vector<16xi32>], vector<16xf32>, vector<16xi1>
    %scan3A_31 = arith.constant 0 : i32
    %scan3A_32 = arith.constant 625 : i32
    %mul3A_33 = arith.constant 10000 : i32
    %mul3A_34 = arith.muli %add3A, %mul3A_33 : i32
    "tpu.region"() ({
      %run_scoped3A = tpu.sem_alloc : memref<!tpu.dma_semaphore, #tpu.memory_space<semaphore_mem>>
      %dma_start3A = tpu.memref_slice %arg5[%mul3A_34] : memref<320000xf32, #tpu.memory_space<hbm>> -> memref<10000xf32, #tpu.memory_space<hbm>>
      %dma_start3A_35 = tpu.memref_slice %arg5[%mul3A_34] : memref<320000xf32, #tpu.memory_space<hbm>> -> memref<10000xf32, #tpu.memory_space<hbm>>
      tpu.enqueue_dma source(%arg9 : memref<10000xf32, #tpu.memory_space<vmem>>) target(%dma_start3A_35 : memref<10000xf32, #tpu.memory_space<hbm>>) target_semaphore(%run_scoped3A : memref<!tpu.dma_semaphore, #tpu.memory_space<semaphore_mem>>)
      %dma_wait3A = tpu.memref_slice %arg5[%mul3A_34] : memref<320000xf32, #tpu.memory_space<hbm>> -> memref<10000xf32, #tpu.memory_space<hbm>>
      %dma_wait3A_36 = tpu.memref_slice %arg5[%mul3A_34] : memref<320000xf32, #tpu.memory_space<hbm>> -> memref<10000xf32, #tpu.memory_space<hbm>>
      tpu.wait_dma2 semaphore(%run_scoped3A : memref<!tpu.dma_semaphore, #tpu.memory_space<semaphore_mem>>) src(%arg9 : memref<10000xf32, #tpu.memory_space<vmem>>) dst(%dma_wait3A_36 : memref<10000xf32, #tpu.memory_space<hbm>>)
      tpu.yield
    }) : () -> ()
    return
  }
}

#map = affine_map<(d0, d1) -> (0)>
module attributes {stable_mosaic.version = 14 : i64} {
  func.func @_deg_pass(%arg0: i32, %arg1: i32, %arg2: memref<320000xi32, #tpu.memory_space<hbm>>, %arg3: memref<320000xi32, #tpu.memory_space<hbm>>, %arg4: memref<320000xf32, #tpu.memory_space<hbm>>, %arg5: memref<10000xi32, #tpu.memory_space<vmem>>, %arg6: memref<10000xi32, #tpu.memory_space<vmem>>, %arg7: memref<10000xf32, #tpu.memory_space<vmem>>) attributes {dimension_semantics = [#tpu.dimension_semantics<core_parallel>, #tpu.dimension_semantics<subcore_parallel>], iteration_bounds = array<i64: 2, 16>, scalar_prefetch = 0 : i64, scratch_operands = 3 : i64, tpu.core_type = #tpu.core_type<sc_vector_subcore>, window_params = [{transform_indices = #map}, {transform_indices = #map}, {transform_indices = #map}]} {
    %mul3A = arith.constant 2 : i32
    %mul3A_0 = arith.muli %arg1, %mul3A : i32
    %add3A = arith.addi %mul3A_0, %arg0 : i32
    %mul3A_1 = arith.constant 10000 : i32
    %mul3A_2 = arith.muli %add3A, %mul3A_1 : i32
    "tpu.region"() ({
      %run_scoped3A = tpu.sem_alloc : memref<!tpu.dma_semaphore, #tpu.memory_space<semaphore_mem>>
      %dma_start3A = tpu.memref_slice %arg2[%mul3A_2] : memref<320000xi32, #tpu.memory_space<hbm>> -> memref<10000xi32, #tpu.memory_space<hbm>>
      %dma_start3A_37 = tpu.memref_slice %arg2[%mul3A_2] : memref<320000xi32, #tpu.memory_space<hbm>> -> memref<10000xi32, #tpu.memory_space<hbm>>
      tpu.enqueue_dma source(%dma_start3A_37 : memref<10000xi32, #tpu.memory_space<hbm>>) target(%arg5 : memref<10000xi32, #tpu.memory_space<vmem>>) target_semaphore(%run_scoped3A : memref<!tpu.dma_semaphore, #tpu.memory_space<semaphore_mem>>)
      %dma_wait3A = tpu.memref_slice %arg2[%mul3A_2] : memref<320000xi32, #tpu.memory_space<hbm>> -> memref<10000xi32, #tpu.memory_space<hbm>>
      %dma_wait3A_38 = tpu.memref_slice %arg2[%mul3A_2] : memref<320000xi32, #tpu.memory_space<hbm>> -> memref<10000xi32, #tpu.memory_space<hbm>>
      tpu.wait_dma2 semaphore(%run_scoped3A : memref<!tpu.dma_semaphore, #tpu.memory_space<semaphore_mem>>) src(%dma_wait3A_38 : memref<10000xi32, #tpu.memory_space<hbm>>) dst(%arg5 : memref<10000xi32, #tpu.memory_space<vmem>>)
      tpu.yield
    }) : () -> ()
    "tpu.region"() ({
      %run_scoped3A = tpu.sem_alloc : memref<!tpu.dma_semaphore, #tpu.memory_space<semaphore_mem>>
      %dma_start3A = tpu.memref_slice %arg3[%mul3A_2] : memref<320000xi32, #tpu.memory_space<hbm>> -> memref<10000xi32, #tpu.memory_space<hbm>>
      %dma_start3A_37 = tpu.memref_slice %arg3[%mul3A_2] : memref<320000xi32, #tpu.memory_space<hbm>> -> memref<10000xi32, #tpu.memory_space<hbm>>
      tpu.enqueue_dma source(%dma_start3A_37 : memref<10000xi32, #tpu.memory_space<hbm>>) target(%arg6 : memref<10000xi32, #tpu.memory_space<vmem>>) target_semaphore(%run_scoped3A : memref<!tpu.dma_semaphore, #tpu.memory_space<semaphore_mem>>)
      %dma_wait3A = tpu.memref_slice %arg3[%mul3A_2] : memref<320000xi32, #tpu.memory_space<hbm>> -> memref<10000xi32, #tpu.memory_space<hbm>>
      %dma_wait3A_38 = tpu.memref_slice %arg3[%mul3A_2] : memref<320000xi32, #tpu.memory_space<hbm>> -> memref<10000xi32, #tpu.memory_space<hbm>>
      tpu.wait_dma2 semaphore(%run_scoped3A : memref<!tpu.dma_semaphore, #tpu.memory_space<semaphore_mem>>) src(%dma_wait3A_38 : memref<10000xi32, #tpu.memory_space<hbm>>) dst(%arg6 : memref<10000xi32, #tpu.memory_space<vmem>>)
      tpu.yield
    }) : () -> ()
    %scan3A = arith.constant 0 : i32
    %scan3A_3 = arith.constant 0 : i32
    %scan3A_4 = arith.constant 624 : i32
    %scan3A_5 = arith.addi %scan3A_3, %scan3A_4 : i32
    %scan3A_6 = arith.constant 8 : i32
    %scan3A_7 = scf.for %scan3A_37 = %scan3A_3 to %scan3A_5 step %scan3A_6 iter_args(%scan3A_38 = %scan3A) -> (i32)  : i32 {
      %broadcast_in_dim3A_39 = arith.constant 0.000000e+00 : f32
      %broadcast_in_dim3A_40 = vector.broadcast %broadcast_in_dim3A_39 : f32 to vector<16xf32>
      %mul3A_41 = arith.constant 16 : i32
      %mul3A_42 = arith.muli %scan3A_37, %mul3A_41 : i32
      %swap3A_43 = arith.index_cast %mul3A_42 : i32 to index
      %swap3A_44 = tpu.vector_load %arg7[%swap3A_43] {strides = array<i32>} : memref<10000xf32, #tpu.memory_space<vmem>>, vector<16xf32>,
      tpu.vector_store %arg7[%swap3A_43], %broadcast_in_dim3A_40 {strides = array<i32>} : memref<10000xf32, #tpu.memory_space<vmem>>, vector<16xf32>,
      %scan3A_45 = arith.constant 0 : i32
      %scan3A_46 = arith.constant 1 : i32
      %scan3A_47 = arith.addi %scan3A_37, %scan3A_46 : i32
      %broadcast_in_dim3A_48 = arith.constant 0.000000e+00 : f32
      %broadcast_in_dim3A_49 = vector.broadcast %broadcast_in_dim3A_48 : f32 to vector<16xf32>
      %mul3A_50 = arith.constant 16 : i32
      %mul3A_51 = arith.muli %scan3A_47, %mul3A_50 : i32
      %swap3A_52 = arith.index_cast %mul3A_51 : i32 to index
      %swap3A_53 = tpu.vector_load %arg7[%swap3A_52] {strides = array<i32>} : memref<10000xf32, #tpu.memory_space<vmem>>, vector<16xf32>,
      tpu.vector_store %arg7[%swap3A_52], %broadcast_in_dim3A_49 {strides = array<i32>} : memref<10000xf32, #tpu.memory_space<vmem>>, vector<16xf32>,
      %scan3A_54 = arith.constant 0 : i32
      %scan3A_55 = arith.constant 2 : i32
      %scan3A_56 = arith.addi %scan3A_37, %scan3A_55 : i32
      %broadcast_in_dim3A_57 = arith.constant 0.000000e+00 : f32
      %broadcast_in_dim3A_58 = vector.broadcast %broadcast_in_dim3A_57 : f32 to vector<16xf32>
      %mul3A_59 = arith.constant 16 : i32
      %mul3A_60 = arith.muli %scan3A_56, %mul3A_59 : i32
      %swap3A_61 = arith.index_cast %mul3A_60 : i32 to index
      %swap3A_62 = tpu.vector_load %arg7[%swap3A_61] {strides = array<i32>} : memref<10000xf32, #tpu.memory_space<vmem>>, vector<16xf32>,
      tpu.vector_store %arg7[%swap3A_61], %broadcast_in_dim3A_58 {strides = array<i32>} : memref<10000xf32, #tpu.memory_space<vmem>>, vector<16xf32>,
      %scan3A_63 = arith.constant 0 : i32
      %scan3A_64 = arith.constant 3 : i32
      %scan3A_65 = arith.addi %scan3A_37, %scan3A_64 : i32
      %broadcast_in_dim3A_66 = arith.constant 0.000000e+00 : f32
      %broadcast_in_dim3A_67 = vector.broadcast %broadcast_in_dim3A_66 : f32 to vector<16xf32>
      %mul3A_68 = arith.constant 16 : i32
      %mul3A_69 = arith.muli %scan3A_65, %mul3A_68 : i32
      %swap3A_70 = arith.index_cast %mul3A_69 : i32 to index
      %swap3A_71 = tpu.vector_load %arg7[%swap3A_70] {strides = array<i32>} : memref<10000xf32, #tpu.memory_space<vmem>>, vector<16xf32>,
      tpu.vector_store %arg7[%swap3A_70], %broadcast_in_dim3A_67 {strides = array<i32>} : memref<10000xf32, #tpu.memory_space<vmem>>, vector<16xf32>,
      %scan3A_72 = arith.constant 0 : i32
      %scan3A_73 = arith.constant 4 : i32
      %scan3A_74 = arith.addi %scan3A_37, %scan3A_73 : i32
      %broadcast_in_dim3A_75 = arith.constant 0.000000e+00 : f32
      %broadcast_in_dim3A_76 = vector.broadcast %broadcast_in_dim3A_75 : f32 to vector<16xf32>
      %mul3A_77 = arith.constant 16 : i32
      %mul3A_78 = arith.muli %scan3A_74, %mul3A_77 : i32
      %swap3A_79 = arith.index_cast %mul3A_78 : i32 to index
      %swap3A_80 = tpu.vector_load %arg7[%swap3A_79] {strides = array<i32>} : memref<10000xf32, #tpu.memory_space<vmem>>, vector<16xf32>,
      tpu.vector_store %arg7[%swap3A_79], %broadcast_in_dim3A_76 {strides = array<i32>} : memref<10000xf32, #tpu.memory_space<vmem>>, vector<16xf32>,
      %scan3A_81 = arith.constant 0 : i32
      %scan3A_82 = arith.constant 5 : i32
      %scan3A_83 = arith.addi %scan3A_37, %scan3A_82 : i32
      %broadcast_in_dim3A_84 = arith.constant 0.000000e+00 : f32
      %broadcast_in_dim3A_85 = vector.broadcast %broadcast_in_dim3A_84 : f32 to vector<16xf32>
      %mul3A_86 = arith.constant 16 : i32
      %mul3A_87 = arith.muli %scan3A_83, %mul3A_86 : i32
      %swap3A_88 = arith.index_cast %mul3A_87 : i32 to index
      %swap3A_89 = tpu.vector_load %arg7[%swap3A_88] {strides = array<i32>} : memref<10000xf32, #tpu.memory_space<vmem>>, vector<16xf32>,
      tpu.vector_store %arg7[%swap3A_88], %broadcast_in_dim3A_85 {strides = array<i32>} : memref<10000xf32, #tpu.memory_space<vmem>>, vector<16xf32>,
      %scan3A_90 = arith.constant 0 : i32
      %scan3A_91 = arith.constant 6 : i32
      %scan3A_92 = arith.addi %scan3A_37, %scan3A_91 : i32
      %broadcast_in_dim3A_93 = arith.constant 0.000000e+00 : f32
      %broadcast_in_dim3A_94 = vector.broadcast %broadcast_in_dim3A_93 : f32 to vector<16xf32>
      %mul3A_95 = arith.constant 16 : i32
      %mul3A_96 = arith.muli %scan3A_92, %mul3A_95 : i32
      %swap3A_97 = arith.index_cast %mul3A_96 : i32 to index
      %swap3A_98 = tpu.vector_load %arg7[%swap3A_97] {strides = array<i32>} : memref<10000xf32, #tpu.memory_space<vmem>>, vector<16xf32>,
      tpu.vector_store %arg7[%swap3A_97], %broadcast_in_dim3A_94 {strides = array<i32>} : memref<10000xf32, #tpu.memory_space<vmem>>, vector<16xf32>,
      %scan3A_99 = arith.constant 0 : i32
      %scan3A_100 = arith.constant 7 : i32
      %scan3A_101 = arith.addi %scan3A_37, %scan3A_100 : i32
      %broadcast_in_dim3A_102 = arith.constant 0.000000e+00 : f32
      %broadcast_in_dim3A_103 = vector.broadcast %broadcast_in_dim3A_102 : f32 to vector<16xf32>
      %mul3A_104 = arith.constant 16 : i32
      %mul3A_105 = arith.muli %scan3A_101, %mul3A_104 : i32
      %swap3A_106 = arith.index_cast %mul3A_105 : i32 to index
      %swap3A_107 = tpu.vector_load %arg7[%swap3A_106] {strides = array<i32>} : memref<10000xf32, #tpu.memory_space<vmem>>, vector<16xf32>,
      tpu.vector_store %arg7[%swap3A_106], %broadcast_in_dim3A_103 {strides = array<i32>} : memref<10000xf32, #tpu.memory_space<vmem>>, vector<16xf32>,
      %scan3A_108 = arith.constant 0 : i32
      scf.yield %scan3A_108 : i32
    }
    %scan3A_8 = arith.constant 624 : i32
    %scan3A_9 = arith.addi %scan3A_3, %scan3A_8 : i32
    %broadcast_in_dim3A = arith.constant 0.000000e+00 : f32
    %broadcast_in_dim3A_10 = vector.broadcast %broadcast_in_dim3A : f32 to vector<16xf32>
    %mul3A_11 = arith.constant 16 : i32
    %mul3A_12 = arith.muli %scan3A_9, %mul3A_11 : i32
    %swap3A = arith.index_cast %mul3A_12 : i32 to index
    %swap3A_13 = tpu.vector_load %arg7[%swap3A] {strides = array<i32>} : memref<10000xf32, #tpu.memory_space<vmem>>, vector<16xf32>,
    tpu.vector_store %arg7[%swap3A], %broadcast_in_dim3A_10 {strides = array<i32>} : memref<10000xf32, #tpu.memory_space<vmem>>, vector<16xf32>,
    %scan3A_14 = arith.constant 0 : i32
    %scan3A_15 = arith.constant 625 : i32
    %broadcast_in_dim3A_16 = arith.constant 1.000000e+00 : f32
    %broadcast_in_dim3A_17 = vector.broadcast %broadcast_in_dim3A_16 : f32 to vector<16xf32>
    %scan3A_18 = arith.constant 0 : i32
    %scan3A_19 = arith.constant 0 : i32
    %scan3A_20 = arith.constant 624 : i32
    %scan3A_21 = arith.addi %scan3A_19, %scan3A_20 : i32
    %scan3A_22 = arith.constant 16 : i32
    %scan3A_23 = scf.for %scan3A_37 = %scan3A_19 to %scan3A_21 step %scan3A_22 iter_args(%scan3A_38 = %scan3A_18) -> (i32)  : i32 {
      %mul3A_39 = arith.constant 16 : i32
      %mul3A_40 = arith.muli %scan3A_37, %mul3A_39 : i32
      %get3A_41 = arith.index_cast %mul3A_40 : i32 to index
      %get3A_42 = tpu.vector_load %arg5[%get3A_41] {strides = array<i32>} : memref<10000xi32, #tpu.memory_space<vmem>>, vector<16xi32>,
      %mul3A_43 = arith.constant 16 : i32
      %mul3A_44 = arith.muli %scan3A_37, %mul3A_43 : i32
      %get3A_45 = arith.index_cast %mul3A_44 : i32 to index
      %get3A_46 = tpu.vector_load %arg6[%get3A_45] {strides = array<i32>} : memref<10000xi32, #tpu.memory_space<vmem>>, vector<16xi32>,
      %ne3A_47 = arith.cmpi ne, %get3A_42, %get3A_46 : vector<16xi32>
      tpu.vector_store_idx %arg7[%get3A_42], %broadcast_in_dim3A_17 masked %ne3A_47 {add = true} : memref<10000xf32, #tpu.memory_space<vmem>>[vector<16xi32>], vector<16xf32>, vector<16xi1>
      %scan3A_48 = arith.constant 0 : i32
      %scan3A_49 = arith.constant 1 : i32
      %scan3A_50 = arith.addi %scan3A_37, %scan3A_49 : i32
      %mul3A_51 = arith.constant 16 : i32
      %mul3A_52 = arith.muli %scan3A_50, %mul3A_51 : i32
      %get3A_53 = arith.index_cast %mul3A_52 : i32 to index
      %get3A_54 = tpu.vector_load %arg5[%get3A_53] {strides = array<i32>} : memref<10000xi32, #tpu.memory_space<vmem>>, vector<16xi32>,
      %mul3A_55 = arith.constant 16 : i32
      %mul3A_56 = arith.muli %scan3A_50, %mul3A_55 : i32
      %get3A_57 = arith.index_cast %mul3A_56 : i32 to index
      %get3A_58 = tpu.vector_load %arg6[%get3A_57] {strides = array<i32>} : memref<10000xi32, #tpu.memory_space<vmem>>, vector<16xi32>,
      %ne3A_59 = arith.cmpi ne, %get3A_54, %get3A_58 : vector<16xi32>
      tpu.vector_store_idx %arg7[%get3A_54], %broadcast_in_dim3A_17 masked %ne3A_59 {add = true} : memref<10000xf32, #tpu.memory_space<vmem>>[vector<16xi32>], vector<16xf32>, vector<16xi1>
      %scan3A_60 = arith.constant 0 : i32
      %scan3A_61 = arith.constant 2 : i32
      %scan3A_62 = arith.addi %scan3A_37, %scan3A_61 : i32
      %mul3A_63 = arith.constant 16 : i32
      %mul3A_64 = arith.muli %scan3A_62, %mul3A_63 : i32
      %get3A_65 = arith.index_cast %mul3A_64 : i32 to index
      %get3A_66 = tpu.vector_load %arg5[%get3A_65] {strides = array<i32>} : memref<10000xi32, #tpu.memory_space<vmem>>, vector<16xi32>,
      %mul3A_67 = arith.constant 16 : i32
      %mul3A_68 = arith.muli %scan3A_62, %mul3A_67 : i32
      %get3A_69 = arith.index_cast %mul3A_68 : i32 to index
      %get3A_70 = tpu.vector_load %arg6[%get3A_69] {strides = array<i32>} : memref<10000xi32, #tpu.memory_space<vmem>>, vector<16xi32>,
      %ne3A_71 = arith.cmpi ne, %get3A_66, %get3A_70 : vector<16xi32>
      tpu.vector_store_idx %arg7[%get3A_66], %broadcast_in_dim3A_17 masked %ne3A_71 {add = true} : memref<10000xf32, #tpu.memory_space<vmem>>[vector<16xi32>], vector<16xf32>, vector<16xi1>
      %scan3A_72 = arith.constant 0 : i32
      %scan3A_73 = arith.constant 3 : i32
      %scan3A_74 = arith.addi %scan3A_37, %scan3A_73 : i32
      %mul3A_75 = arith.constant 16 : i32
      %mul3A_76 = arith.muli %scan3A_74, %mul3A_75 : i32
      %get3A_77 = arith.index_cast %mul3A_76 : i32 to index
      %get3A_78 = tpu.vector_load %arg5[%get3A_77] {strides = array<i32>} : memref<10000xi32, #tpu.memory_space<vmem>>, vector<16xi32>,
      %mul3A_79 = arith.constant 16 : i32
      %mul3A_80 = arith.muli %scan3A_74, %mul3A_79 : i32
      %get3A_81 = arith.index_cast %mul3A_80 : i32 to index
      %get3A_82 = tpu.vector_load %arg6[%get3A_81] {strides = array<i32>} : memref<10000xi32, #tpu.memory_space<vmem>>, vector<16xi32>,
      %ne3A_83 = arith.cmpi ne, %get3A_78, %get3A_82 : vector<16xi32>
      tpu.vector_store_idx %arg7[%get3A_78], %broadcast_in_dim3A_17 masked %ne3A_83 {add = true} : memref<10000xf32, #tpu.memory_space<vmem>>[vector<16xi32>], vector<16xf32>, vector<16xi1>
      %scan3A_84 = arith.constant 0 : i32
      %scan3A_85 = arith.constant 4 : i32
      %scan3A_86 = arith.addi %scan3A_37, %scan3A_85 : i32
      %mul3A_87 = arith.constant 16 : i32
      %mul3A_88 = arith.muli %scan3A_86, %mul3A_87 : i32
      %get3A_89 = arith.index_cast %mul3A_88 : i32 to index
      %get3A_90 = tpu.vector_load %arg5[%get3A_89] {strides = array<i32>} : memref<10000xi32, #tpu.memory_space<vmem>>, vector<16xi32>,
      %mul3A_91 = arith.constant 16 : i32
      %mul3A_92 = arith.muli %scan3A_86, %mul3A_91 : i32
      %get3A_93 = arith.index_cast %mul3A_92 : i32 to index
      %get3A_94 = tpu.vector_load %arg6[%get3A_93] {strides = array<i32>} : memref<10000xi32, #tpu.memory_space<vmem>>, vector<16xi32>,
      %ne3A_95 = arith.cmpi ne, %get3A_90, %get3A_94 : vector<16xi32>
      tpu.vector_store_idx %arg7[%get3A_90], %broadcast_in_dim3A_17 masked %ne3A_95 {add = true} : memref<10000xf32, #tpu.memory_space<vmem>>[vector<16xi32>], vector<16xf32>, vector<16xi1>
      %scan3A_96 = arith.constant 0 : i32
      %scan3A_97 = arith.constant 5 : i32
      %scan3A_98 = arith.addi %scan3A_37, %scan3A_97 : i32
      %mul3A_99 = arith.constant 16 : i32
      %mul3A_100 = arith.muli %scan3A_98, %mul3A_99 : i32
      %get3A_101 = arith.index_cast %mul3A_100 : i32 to index
      %get3A_102 = tpu.vector_load %arg5[%get3A_101] {strides = array<i32>} : memref<10000xi32, #tpu.memory_space<vmem>>, vector<16xi32>,
      %mul3A_103 = arith.constant 16 : i32
      %mul3A_104 = arith.muli %scan3A_98, %mul3A_103 : i32
      %get3A_105 = arith.index_cast %mul3A_104 : i32 to index
      %get3A_106 = tpu.vector_load %arg6[%get3A_105] {strides = array<i32>} : memref<10000xi32, #tpu.memory_space<vmem>>, vector<16xi32>,
      %ne3A_107 = arith.cmpi ne, %get3A_102, %get3A_106 : vector<16xi32>
      tpu.vector_store_idx %arg7[%get3A_102], %broadcast_in_dim3A_17 masked %ne3A_107 {add = true} : memref<10000xf32, #tpu.memory_space<vmem>>[vector<16xi32>], vector<16xf32>, vector<16xi1>
      %scan3A_108 = arith.constant 0 : i32
      %scan3A_109 = arith.constant 6 : i32
      %scan3A_110 = arith.addi %scan3A_37, %scan3A_109 : i32
      %mul3A_111 = arith.constant 16 : i32
      %mul3A_112 = arith.muli %scan3A_110, %mul3A_111 : i32
      %get3A_113 = arith.index_cast %mul3A_112 : i32 to index
      %get3A_114 = tpu.vector_load %arg5[%get3A_113] {strides = array<i32>} : memref<10000xi32, #tpu.memory_space<vmem>>, vector<16xi32>,
      %mul3A_115 = arith.constant 16 : i32
      %mul3A_116 = arith.muli %scan3A_110, %mul3A_115 : i32
      %get3A_117 = arith.index_cast %mul3A_116 : i32 to index
      %get3A_118 = tpu.vector_load %arg6[%get3A_117] {strides = array<i32>} : memref<10000xi32, #tpu.memory_space<vmem>>, vector<16xi32>,
      %ne3A_119 = arith.cmpi ne, %get3A_114, %get3A_118 : vector<16xi32>
      tpu.vector_store_idx %arg7[%get3A_114], %broadcast_in_dim3A_17 masked %ne3A_119 {add = true} : memref<10000xf32, #tpu.memory_space<vmem>>[vector<16xi32>], vector<16xf32>, vector<16xi1>
      %scan3A_120 = arith.constant 0 : i32
      %scan3A_121 = arith.constant 7 : i32
      %scan3A_122 = arith.addi %scan3A_37, %scan3A_121 : i32
      %mul3A_123 = arith.constant 16 : i32
      %mul3A_124 = arith.muli %scan3A_122, %mul3A_123 : i32
      %get3A_125 = arith.index_cast %mul3A_124 : i32 to index
      %get3A_126 = tpu.vector_load %arg5[%get3A_125] {strides = array<i32>} : memref<10000xi32, #tpu.memory_space<vmem>>, vector<16xi32>,
      %mul3A_127 = arith.constant 16 : i32
      %mul3A_128 = arith.muli %scan3A_122, %mul3A_127 : i32
      %get3A_129 = arith.index_cast %mul3A_128 : i32 to index
      %get3A_130 = tpu.vector_load %arg6[%get3A_129] {strides = array<i32>} : memref<10000xi32, #tpu.memory_space<vmem>>, vector<16xi32>,
      %ne3A_131 = arith.cmpi ne, %get3A_126, %get3A_130 : vector<16xi32>
      tpu.vector_store_idx %arg7[%get3A_126], %broadcast_in_dim3A_17 masked %ne3A_131 {add = true} : memref<10000xf32, #tpu.memory_space<vmem>>[vector<16xi32>], vector<16xf32>, vector<16xi1>
      %scan3A_132 = arith.constant 0 : i32
      %scan3A_133 = arith.constant 8 : i32
      %scan3A_134 = arith.addi %scan3A_37, %scan3A_133 : i32
      %mul3A_135 = arith.constant 16 : i32
      %mul3A_136 = arith.muli %scan3A_134, %mul3A_135 : i32
      %get3A_137 = arith.index_cast %mul3A_136 : i32 to index
      %get3A_138 = tpu.vector_load %arg5[%get3A_137] {strides = array<i32>} : memref<10000xi32, #tpu.memory_space<vmem>>, vector<16xi32>,
      %mul3A_139 = arith.constant 16 : i32
      %mul3A_140 = arith.muli %scan3A_134, %mul3A_139 : i32
      %get3A_141 = arith.index_cast %mul3A_140 : i32 to index
      %get3A_142 = tpu.vector_load %arg6[%get3A_141] {strides = array<i32>} : memref<10000xi32, #tpu.memory_space<vmem>>, vector<16xi32>,
      %ne3A_143 = arith.cmpi ne, %get3A_138, %get3A_142 : vector<16xi32>
      tpu.vector_store_idx %arg7[%get3A_138], %broadcast_in_dim3A_17 masked %ne3A_143 {add = true} : memref<10000xf32, #tpu.memory_space<vmem>>[vector<16xi32>], vector<16xf32>, vector<16xi1>
      %scan3A_144 = arith.constant 0 : i32
      %scan3A_145 = arith.constant 9 : i32
      %scan3A_146 = arith.addi %scan3A_37, %scan3A_145 : i32
      %mul3A_147 = arith.constant 16 : i32
      %mul3A_148 = arith.muli %scan3A_146, %mul3A_147 : i32
      %get3A_149 = arith.index_cast %mul3A_148 : i32 to index
      %get3A_150 = tpu.vector_load %arg5[%get3A_149] {strides = array<i32>} : memref<10000xi32, #tpu.memory_space<vmem>>, vector<16xi32>,
      %mul3A_151 = arith.constant 16 : i32
      %mul3A_152 = arith.muli %scan3A_146, %mul3A_151 : i32
      %get3A_153 = arith.index_cast %mul3A_152 : i32 to index
      %get3A_154 = tpu.vector_load %arg6[%get3A_153] {strides = array<i32>} : memref<10000xi32, #tpu.memory_space<vmem>>, vector<16xi32>,
      %ne3A_155 = arith.cmpi ne, %get3A_150, %get3A_154 : vector<16xi32>
      tpu.vector_store_idx %arg7[%get3A_150], %broadcast_in_dim3A_17 masked %ne3A_155 {add = true} : memref<10000xf32, #tpu.memory_space<vmem>>[vector<16xi32>], vector<16xf32>, vector<16xi1>
      %scan3A_156 = arith.constant 0 : i32
      %scan3A_157 = arith.constant 10 : i32
      %scan3A_158 = arith.addi %scan3A_37, %scan3A_157 : i32
      %mul3A_159 = arith.constant 16 : i32
      %mul3A_160 = arith.muli %scan3A_158, %mul3A_159 : i32
      %get3A_161 = arith.index_cast %mul3A_160 : i32 to index
      %get3A_162 = tpu.vector_load %arg5[%get3A_161] {strides = array<i32>} : memref<10000xi32, #tpu.memory_space<vmem>>, vector<16xi32>,
      %mul3A_163 = arith.constant 16 : i32
      %mul3A_164 = arith.muli %scan3A_158, %mul3A_163 : i32
      %get3A_165 = arith.index_cast %mul3A_164 : i32 to index
      %get3A_166 = tpu.vector_load %arg6[%get3A_165] {strides = array<i32>} : memref<10000xi32, #tpu.memory_space<vmem>>, vector<16xi32>,
      %ne3A_167 = arith.cmpi ne, %get3A_162, %get3A_166 : vector<16xi32>
      tpu.vector_store_idx %arg7[%get3A_162], %broadcast_in_dim3A_17 masked %ne3A_167 {add = true} : memref<10000xf32, #tpu.memory_space<vmem>>[vector<16xi32>], vector<16xf32>, vector<16xi1>
      %scan3A_168 = arith.constant 0 : i32
      %scan3A_169 = arith.constant 11 : i32
      %scan3A_170 = arith.addi %scan3A_37, %scan3A_169 : i32
      %mul3A_171 = arith.constant 16 : i32
      %mul3A_172 = arith.muli %scan3A_170, %mul3A_171 : i32
      %get3A_173 = arith.index_cast %mul3A_172 : i32 to index
      %get3A_174 = tpu.vector_load %arg5[%get3A_173] {strides = array<i32>} : memref<10000xi32, #tpu.memory_space<vmem>>, vector<16xi32>,
      %mul3A_175 = arith.constant 16 : i32
      %mul3A_176 = arith.muli %scan3A_170, %mul3A_175 : i32
      %get3A_177 = arith.index_cast %mul3A_176 : i32 to index
      %get3A_178 = tpu.vector_load %arg6[%get3A_177] {strides = array<i32>} : memref<10000xi32, #tpu.memory_space<vmem>>, vector<16xi32>,
      %ne3A_179 = arith.cmpi ne, %get3A_174, %get3A_178 : vector<16xi32>
      tpu.vector_store_idx %arg7[%get3A_174], %broadcast_in_dim3A_17 masked %ne3A_179 {add = true} : memref<10000xf32, #tpu.memory_space<vmem>>[vector<16xi32>], vector<16xf32>, vector<16xi1>
      %scan3A_180 = arith.constant 0 : i32
      %scan3A_181 = arith.constant 12 : i32
      %scan3A_182 = arith.addi %scan3A_37, %scan3A_181 : i32
      %mul3A_183 = arith.constant 16 : i32
      %mul3A_184 = arith.muli %scan3A_182, %mul3A_183 : i32
      %get3A_185 = arith.index_cast %mul3A_184 : i32 to index
      %get3A_186 = tpu.vector_load %arg5[%get3A_185] {strides = array<i32>} : memref<10000xi32, #tpu.memory_space<vmem>>, vector<16xi32>,
      %mul3A_187 = arith.constant 16 : i32
      %mul3A_188 = arith.muli %scan3A_182, %mul3A_187 : i32
      %get3A_189 = arith.index_cast %mul3A_188 : i32 to index
      %get3A_190 = tpu.vector_load %arg6[%get3A_189] {strides = array<i32>} : memref<10000xi32, #tpu.memory_space<vmem>>, vector<16xi32>,
      %ne3A_191 = arith.cmpi ne, %get3A_186, %get3A_190 : vector<16xi32>
      tpu.vector_store_idx %arg7[%get3A_186], %broadcast_in_dim3A_17 masked %ne3A_191 {add = true} : memref<10000xf32, #tpu.memory_space<vmem>>[vector<16xi32>], vector<16xf32>, vector<16xi1>
      %scan3A_192 = arith.constant 0 : i32
      %scan3A_193 = arith.constant 13 : i32
      %scan3A_194 = arith.addi %scan3A_37, %scan3A_193 : i32
      %mul3A_195 = arith.constant 16 : i32
      %mul3A_196 = arith.muli %scan3A_194, %mul3A_195 : i32
      %get3A_197 = arith.index_cast %mul3A_196 : i32 to index
      %get3A_198 = tpu.vector_load %arg5[%get3A_197] {strides = array<i32>} : memref<10000xi32, #tpu.memory_space<vmem>>, vector<16xi32>,
      %mul3A_199 = arith.constant 16 : i32
      %mul3A_200 = arith.muli %scan3A_194, %mul3A_199 : i32
      %get3A_201 = arith.index_cast %mul3A_200 : i32 to index
      %get3A_202 = tpu.vector_load %arg6[%get3A_201] {strides = array<i32>} : memref<10000xi32, #tpu.memory_space<vmem>>, vector<16xi32>,
      %ne3A_203 = arith.cmpi ne, %get3A_198, %get3A_202 : vector<16xi32>
      tpu.vector_store_idx %arg7[%get3A_198], %broadcast_in_dim3A_17 masked %ne3A_203 {add = true} : memref<10000xf32, #tpu.memory_space<vmem>>[vector<16xi32>], vector<16xf32>, vector<16xi1>
      %scan3A_204 = arith.constant 0 : i32
      %scan3A_205 = arith.constant 14 : i32
      %scan3A_206 = arith.addi %scan3A_37, %scan3A_205 : i32
      %mul3A_207 = arith.constant 16 : i32
      %mul3A_208 = arith.muli %scan3A_206, %mul3A_207 : i32
      %get3A_209 = arith.index_cast %mul3A_208 : i32 to index
      %get3A_210 = tpu.vector_load %arg5[%get3A_209] {strides = array<i32>} : memref<10000xi32, #tpu.memory_space<vmem>>, vector<16xi32>,
      %mul3A_211 = arith.constant 16 : i32
      %mul3A_212 = arith.muli %scan3A_206, %mul3A_211 : i32
      %get3A_213 = arith.index_cast %mul3A_212 : i32 to index
      %get3A_214 = tpu.vector_load %arg6[%get3A_213] {strides = array<i32>} : memref<10000xi32, #tpu.memory_space<vmem>>, vector<16xi32>,
      %ne3A_215 = arith.cmpi ne, %get3A_210, %get3A_214 : vector<16xi32>
      tpu.vector_store_idx %arg7[%get3A_210], %broadcast_in_dim3A_17 masked %ne3A_215 {add = true} : memref<10000xf32, #tpu.memory_space<vmem>>[vector<16xi32>], vector<16xf32>, vector<16xi1>
      %scan3A_216 = arith.constant 0 : i32
      %scan3A_217 = arith.constant 15 : i32
      %scan3A_218 = arith.addi %scan3A_37, %scan3A_217 : i32
      %mul3A_219 = arith.constant 16 : i32
      %mul3A_220 = arith.muli %scan3A_218, %mul3A_219 : i32
      %get3A_221 = arith.index_cast %mul3A_220 : i32 to index
      %get3A_222 = tpu.vector_load %arg5[%get3A_221] {strides = array<i32>} : memref<10000xi32, #tpu.memory_space<vmem>>, vector<16xi32>,
      %mul3A_223 = arith.constant 16 : i32
      %mul3A_224 = arith.muli %scan3A_218, %mul3A_223 : i32
      %get3A_225 = arith.index_cast %mul3A_224 : i32 to index
      %get3A_226 = tpu.vector_load %arg6[%get3A_225] {strides = array<i32>} : memref<10000xi32, #tpu.memory_space<vmem>>, vector<16xi32>,
      %ne3A_227 = arith.cmpi ne, %get3A_222, %get3A_226 : vector<16xi32>
      tpu.vector_store_idx %arg7[%get3A_222], %broadcast_in_dim3A_17 masked %ne3A_227 {add = true} : memref<10000xf32, #tpu.memory_space<vmem>>[vector<16xi32>], vector<16xf32>, vector<16xi1>
      %scan3A_228 = arith.constant 0 : i32
      scf.yield %scan3A_228 : i32
    }
    %scan3A_24 = arith.constant 624 : i32
    %scan3A_25 = arith.addi %scan3A_19, %scan3A_24 : i32
    %mul3A_26 = arith.constant 16 : i32
    %mul3A_27 = arith.muli %scan3A_25, %mul3A_26 : i32
    %get3A = arith.index_cast %mul3A_27 : i32 to index
    %get3A_28 = tpu.vector_load %arg5[%get3A] {strides = array<i32>} : memref<10000xi32, #tpu.memory_space<vmem>>, vector<16xi32>,
    %mul3A_29 = arith.constant 16 : i32
    %mul3A_30 = arith.muli %scan3A_25, %mul3A_29 : i32
    %get3A_31 = arith.index_cast %mul3A_30 : i32 to index
    %get3A_32 = tpu.vector_load %arg6[%get3A_31] {strides = array<i32>} : memref<10000xi32, #tpu.memory_space<vmem>>, vector<16xi32>,
    %ne3A = arith.cmpi ne, %get3A_28, %get3A_32 : vector<16xi32>
    tpu.vector_store_idx %arg7[%get3A_28], %broadcast_in_dim3A_17 masked %ne3A {add = true} : memref<10000xf32, #tpu.memory_space<vmem>>[vector<16xi32>], vector<16xf32>, vector<16xi1>
    %scan3A_33 = arith.constant 0 : i32
    %scan3A_34 = arith.constant 625 : i32
    %mul3A_35 = arith.constant 10000 : i32
    %mul3A_36 = arith.muli %add3A, %mul3A_35 : i32
    "tpu.region"() ({
      %run_scoped3A = tpu.sem_alloc : memref<!tpu.dma_semaphore, #tpu.memory_space<semaphore_mem>>
      %dma_start3A = tpu.memref_slice %arg4[%mul3A_36] : memref<320000xf32, #tpu.memory_space<hbm>> -> memref<10000xf32, #tpu.memory_space<hbm>>
      %dma_start3A_37 = tpu.memref_slice %arg4[%mul3A_36] : memref<320000xf32, #tpu.memory_space<hbm>> -> memref<10000xf32, #tpu.memory_space<hbm>>
      tpu.enqueue_dma source(%arg7 : memref<10000xf32, #tpu.memory_space<vmem>>) target(%dma_start3A_37 : memref<10000xf32, #tpu.memory_space<hbm>>) target_semaphore(%run_scoped3A : memref<!tpu.dma_semaphore, #tpu.memory_space<semaphore_mem>>)
      %dma_wait3A = tpu.memref_slice %arg4[%mul3A_36] : memref<320000xf32, #tpu.memory_space<hbm>> -> memref<10000xf32, #tpu.memory_space<hbm>>
      %dma_wait3A_38 = tpu.memref_slice %arg4[%mul3A_36] : memref<320000xf32, #tpu.memory_space<hbm>> -> memref<10000xf32, #tpu.memory_space<hbm>>
      tpu.wait_dma2 semaphore(%run_scoped3A : memref<!tpu.dma_semaphore, #tpu.memory_space<semaphore_mem>>) src(%arg7 : memref<10000xf32, #tpu.memory_space<vmem>>) dst(%dma_wait3A_38 : memref<10000xf32, #tpu.memory_space<hbm>>)
      tpu.yield
    }) : () -> ()
    return
  }
}

module attributes {stable_mosaic.version = 14 : i64} {
  func.func @_prep_st_body(%arg0: memref<10000x128xf32, #tpu.memory_space<vmem>>, %arg1: memref<2x128xf32, #tpu.memory_space<vmem>>, %arg2: memref<1x1xf32, #tpu.memory_space<vmem>>, %arg3: memref<2x10000xf32, #tpu.memory_space<vmem>>) attributes {dimension_semantics = [], scalar_prefetch = 0 : i64, scratch_operands = 0 : i64, tpu.core_type = #tpu.core_type<tc>} {
    %get3A = arith.constant 0 : index
    %get3A_0 = arith.constant 0 : index
    %get3A_1 = vector.load %arg0[%get3A, %get3A_0] : memref<10000x128xf32, #tpu.memory_space<vmem>>, vector<10000x128xf32>
    %convert_element_type3A = arith.truncf %get3A_1 : vector<10000x128xf32> to vector<10000x128xbf16>
    %convert_element_type3A_2 = arith.extf %convert_element_type3A : vector<10000x128xbf16> to vector<10000x128xf32>
    %get3A_3 = arith.constant 0 : index
    %get3A_4 = arith.constant 0 : index
    %get3A_5 = vector.load %arg1[%get3A_3, %get3A_4] : memref<2x128xf32, #tpu.memory_space<vmem>>, vector<1x128xf32>
    %mul3A = vector.broadcast %get3A_5 : vector<1x128xf32> to vector<10000x128xf32>
    %mul3A_6 = arith.mulf %convert_element_type3A_2, %mul3A : vector<10000x128xf32>
    %reduce_sum3A = arith.constant dense<0.000000e+00> : vector<10000xf32>
    %reduce_sum3A_7 = vector.multi_reduction <add>, %mul3A_6, %reduce_sum3A [1] : vector<10000x128xf32> to vector<10000xf32>
    %get3A_8 = arith.constant 1 : index
    %get3A_9 = arith.constant 0 : index
    %get3A_10 = vector.load %arg1[%get3A_8, %get3A_9] : memref<2x128xf32, #tpu.memory_space<vmem>>, vector<1x128xf32>
    %mul3A_11 = vector.broadcast %get3A_10 : vector<1x128xf32> to vector<10000x128xf32>
    %mul3A_12 = arith.mulf %get3A_1, %mul3A_11 : vector<10000x128xf32>
    %reduce_sum3A_13 = arith.constant dense<0.000000e+00> : vector<10000xf32>
    %reduce_sum3A_14 = vector.multi_reduction <add>, %mul3A_12, %reduce_sum3A_13 [1] : vector<10000x128xf32> to vector<10000xf32>
    %get3A_15 = arith.constant 0 : index
    %get3A_16 = arith.constant 0 : index
    %get3A_17 = vector.load %arg2[%get3A_15, %get3A_16] : memref<1x1xf32, #tpu.memory_space<vmem>>, vector<1x1xf32>
    %get3A_18 = vector.extract %get3A_17[0, 0] : f32 from vector<1x1xf32>
    %add3A = vector.broadcast %get3A_18 : f32 to vector<10000xf32>
    %add3A_19 = arith.addf %reduce_sum3A_7, %add3A : vector<10000xf32>
    %stack3A = vector.shape_cast %add3A_19 : vector<10000xf32> to vector<1x10000xf32>
    %stack3A_20 = vector.shape_cast %reduce_sum3A_14 : vector<10000xf32> to vector<1x10000xf32>
    %stack3A_21 = tpu.concatenate %stack3A, %stack3A_20 in 0 : vector<1x10000xf32>, vector<1x10000xf32> -> vector<2x10000xf32>
    %swap3A = arith.constant 0 : index
    %swap3A_22 = arith.constant 0 : index
    %swap3A_23 = vector.load %arg3[%swap3A, %swap3A_22] : memref<2x10000xf32, #tpu.memory_space<vmem>>, vector<2x10000xf32>
    tpu.vector_store %arg3[%swap3A, %swap3A_22], %stack3A_21 {strides = array<i32>} : memref<2x10000xf32, #tpu.memory_space<vmem>>, vector<2x10000xf32>,
    return
  }
}

module attributes {stable_mosaic.version = 14 : i64} {
  func.func @_prep_u_body(%arg0: memref<32x10000xf32, #tpu.memory_space<vmem>>, %arg1: memref<2x10000xf32, #tpu.memory_space<vmem>>, %arg2: memref<10000xf32, #tpu.memory_space<vmem>>, %arg3: memref<2x10000xf32, #tpu.memory_space<vmem>>) attributes {dimension_semantics = [], scalar_prefetch = 0 : i64, scratch_operands = 0 : i64, tpu.core_type = #tpu.core_type<tc>} {
    %get3A = arith.constant 0 : index
    %get3A_0 = arith.constant 0 : index
    %get3A_1 = vector.load %arg0[%get3A, %get3A_0] : memref<32x10000xf32, #tpu.memory_space<vmem>>, vector<32x10000xf32>
    %reduce_sum3A = arith.constant dense<0.000000e+00> : vector<10000xf32>
    %reduce_sum3A_2 = vector.multi_reduction <add>, %get3A_1, %reduce_sum3A [0] : vector<32x10000xf32> to vector<10000xf32>
    %gt3A = arith.constant 0.000000e+00 : f32
    %gt3A_3 = vector.broadcast %gt3A : f32 to vector<10000xf32>
    %gt3A_4 = arith.cmpf ogt, %reduce_sum3A_2, %gt3A_3 : vector<10000xf32>
    %jit3A = arith.constant 1.000000e+00 : f32
    %broadcast_in_dim3A = vector.broadcast %jit3A : f32 to vector<10000xf32>
    %select_n3A = arith.select %gt3A_4, %reduce_sum3A_2, %broadcast_in_dim3A : vector<10000xi1>, vector<10000xf32>
    %gt3A_5 = arith.constant 0.000000e+00 : f32
    %gt3A_6 = vector.broadcast %gt3A_5 : f32 to vector<10000xf32>
    %gt3A_7 = arith.cmpf ogt, %reduce_sum3A_2, %gt3A_6 : vector<10000xf32>
    %rsqrt3A = math.rsqrt %select_n3A : vector<10000xf32>
    %jit3A_8 = arith.constant 0.000000e+00 : f32
    %broadcast_in_dim3A_9 = vector.broadcast %jit3A_8 : f32 to vector<10000xf32>
    %select_n3A_10 = arith.select %gt3A_7, %rsqrt3A, %broadcast_in_dim3A_9 : vector<10000xi1>, vector<10000xf32>
    %get3A_11 = arith.constant 1 : index
    %get3A_12 = arith.constant 0 : index
    %get3A_13 = vector.load %arg1[%get3A_11, %get3A_12] : memref<2x10000xf32, #tpu.memory_space<vmem>>, vector<1x10000xf32>
    %get3A_14 = vector.shape_cast %get3A_13 : vector<1x10000xf32> to vector<10000xf32>
    %mul3A = arith.mulf %select_n3A_10, %get3A_14 : vector<10000xf32>
    %swap3A = arith.constant 0 : index
    %swap3A_15 = vector.load %arg2[%swap3A] : memref<10000xf32, #tpu.memory_space<vmem>>, vector<10000xf32>
    tpu.vector_store %arg2[%swap3A], %mul3A {strides = array<i32>} : memref<10000xf32, #tpu.memory_space<vmem>>, vector<10000xf32>,
    %get3A_16 = arith.constant 0 : index
    %get3A_17 = arith.constant 0 : index
    %get3A_18 = vector.load %arg1[%get3A_16, %get3A_17] : memref<2x10000xf32, #tpu.memory_space<vmem>>, vector<1x10000xf32>
    %get3A_19 = vector.shape_cast %get3A_18 : vector<1x10000xf32> to vector<10000xf32>
    %stack3A = vector.shape_cast %get3A_19 : vector<10000xf32> to vector<1x10000xf32>
    %stack3A_20 = vector.shape_cast %select_n3A_10 : vector<10000xf32> to vector<1x10000xf32>
    %stack3A_21 = tpu.concatenate %stack3A, %stack3A_20 in 0 : vector<1x10000xf32>, vector<1x10000xf32> -> vector<2x10000xf32>
    %swap3A_22 = arith.constant 0 : index
    %swap3A_23 = arith.constant 0 : index
    %swap3A_24 = vector.load %arg3[%swap3A_22, %swap3A_23] : memref<2x10000xf32, #tpu.memory_space<vmem>>, vector<2x10000xf32>
    tpu.vector_store %arg3[%swap3A_22, %swap3A_23], %stack3A_21 {strides = array<i32>} : memref<2x10000xf32, #tpu.memory_space<vmem>>, vector<2x10000xf32>,
    return
  }
}

module attributes {stable_mosaic.version = 14 : i64} {
  func.func @_dense_body(%arg0: i32, %arg1: memref<80x10000xf32, #tpu.memory_space<vmem>>, %arg2: memref<80x10000xf32, #tpu.memory_space<vmem>>, %arg3: memref<80x10000xf32, #tpu.memory_space<vmem>>, %arg4: memref<80x10000xf32, #tpu.memory_space<vmem>>, %arg5: memref<80x10000xf32, #tpu.memory_space<vmem>>, %arg6: memref<2x10000xf32, #tpu.memory_space<vmem>>, %arg7: memref<32x10000xf32, #tpu.memory_space<vmem>>, %arg8: memref<400x1xf32, #tpu.memory_space<vmem>>, %arg9: memref<400x10xf32, #tpu.memory_space<vmem>>, %arg10: memref<1x10xf32, #tpu.memory_space<vmem>>, %arg11: memref<1x10xf32, #tpu.memory_space<vmem>>, %arg12: memref<1x10000xf32, #tpu.memory_space<vmem>>, %arg13: memref<1x10xf32, #tpu.memory_space<vmem>>) attributes {dimension_semantics = [#tpu.dimension_semantics<arbitrary>], iteration_bounds = array<i64: 25>, scalar_prefetch = 0 : i64, scratch_operands = 2 : i64, tpu.core_type = #tpu.core_type<tc>, window_params = [{transform_indices = @transform_0, window_bounds = array<i64: 80, 10000>}, {transform_indices = @transform_1, window_bounds = array<i64: 80, 10000>}, {transform_indices = @transform_2, window_bounds = array<i64: 80, 10000>}, {transform_indices = @transform_3, window_bounds = array<i64: 80, 10000>}, {transform_indices = @transform_4, window_bounds = array<i64: 80, 10000>}, {pipeline_mode = #tpu.pipeline_mode<synchronous>, transform_indices = @transform_5, window_bounds = array<i64: 2, 10000>}, {pipeline_mode = #tpu.pipeline_mode<synchronous>, transform_indices = @transform_6, window_bounds = array<i64: 32, 10000>}, {transform_indices = @transform_7, window_bounds = array<i64: 400, 1>}, {transform_indices = @transform_8, window_bounds = array<i64: 400, 10>}, {pipeline_mode = #tpu.pipeline_mode<synchronous>, transform_indices = @transform_9, window_bounds = array<i64: 1, 10>}, {pipeline_mode = #tpu.pipeline_mode<synchronous>, transform_indices = @transform_10, window_bounds = array<i64: 1, 10>}]} {
    %eq3A = arith.constant 0 : i32
    %eq3A_0 = arith.cmpi eq, %arg0, %eq3A : i32
    %convert_element_type3A = arith.extui %eq3A_0 : i1 to i32
    %cond3A = arith.constant 0 : i32
    %cond3A_1 = arith.cmpi ne, %convert_element_type3A, %cond3A : i32
    scf.if %cond3A_1 {
      %get3A_100 = arith.constant 0 : index
      %get3A_101 = arith.constant 0 : index
      %get3A_102 = vector.load %arg7[%get3A_100, %get3A_101] : memref<32x10000xf32, #tpu.memory_space<vmem>>, vector<32x10000xf32>
      %reduce_sum3A = arith.constant dense<0.000000e+00> : vector<10000xf32>
      %reduce_sum3A_103 = vector.multi_reduction <add>, %get3A_102, %reduce_sum3A [0] : vector<32x10000xf32> to vector<10000xf32>
      %broadcast_in_dim3A_104 = vector.shape_cast %reduce_sum3A_103 : vector<10000xf32> to vector<1x10000xf32>
      %get3A_105 = arith.constant 0 : index
      %get3A_106 = arith.constant 0 : index
      %get3A_107 = vector.load %arg6[%get3A_105, %get3A_106] : memref<2x10000xf32, #tpu.memory_space<vmem>>, vector<1x10000xf32>
      %get3A_108 = arith.constant 1 : index
      %get3A_109 = arith.constant 0 : index
      %get3A_110 = vector.load %arg6[%get3A_108, %get3A_109] : memref<2x10000xf32, #tpu.memory_space<vmem>>, vector<1x10000xf32>
      %mul3A = arith.mulf %get3A_110, %broadcast_in_dim3A_104 : vector<1x10000xf32>
      %sub3A = arith.subf %get3A_107, %mul3A : vector<1x10000xf32>
      %swap3A_111 = arith.constant 0 : index
      %swap3A_112 = arith.constant 0 : index
      %swap3A_113 = vector.load %arg12[%swap3A_111, %swap3A_112] : memref<1x10000xf32, #tpu.memory_space<vmem>>, vector<1x10000xf32>
      tpu.vector_store %arg12[%swap3A_111, %swap3A_112], %sub3A {strides = array<i32>} : memref<1x10000xf32, #tpu.memory_space<vmem>>, vector<1x10000xf32>,
      %broadcast_in_dim3A_114 = arith.constant 0.000000e+00 : f32
      %broadcast_in_dim3A_115 = vector.broadcast %broadcast_in_dim3A_114 : f32 to vector<1x10xf32>
      %swap3A_116 = arith.constant 0 : index
      %swap3A_117 = arith.constant 0 : index
      %swap3A_118 = vector.load %arg13[%swap3A_116, %swap3A_117] : memref<1x10xf32, #tpu.memory_space<vmem>>, vector<1x10xf32>
      tpu.vector_store %arg13[%swap3A_116, %swap3A_117], %broadcast_in_dim3A_115 {strides = array<i32>} : memref<1x10xf32, #tpu.memory_space<vmem>>, vector<1x10xf32>,
    } else {
    }
    %get3A = arith.constant 0 : index
    %get3A_2 = arith.constant 0 : index
    %get3A_3 = vector.load %arg12[%get3A, %get3A_2] : memref<1x10000xf32, #tpu.memory_space<vmem>>, vector<1x10000xf32>
    %get3A_4 = arith.constant 0 : index
    %get3A_5 = arith.constant 0 : index
    %get3A_6 = vector.load %arg13[%get3A_4, %get3A_5] : memref<1x10xf32, #tpu.memory_space<vmem>>, vector<1x10xf32>
    %get3A_7 = arith.constant 0 : index
    %get3A_8 = arith.constant 0 : index
    %get3A_9 = vector.load %arg1[%get3A_7, %get3A_8] : memref<80x10000xf32, #tpu.memory_space<vmem>>, vector<80x10000xf32>
    %dot_general3A = arith.constant dense<0.000000e+00> : vector<80x1xf32>
    %dot_general3A_10 = tpu.matmul %get3A_9, %get3A_3, %dot_general3A {dimension_numbers = #tpu.dot_dimension_numbers<[1], [1], [0], [0], [0, 0, 1, 0], [], []>, transpose_lhs_hint = false} : vector<80x10000xf32>, vector<1x10000xf32>, vector<80x1xf32> -> vector<80x1xf32>
    %squeeze3A = vector.shape_cast %dot_general3A_10 : vector<80x1xf32> to vector<80xf32>
    %get3A_11 = arith.constant 0 : index
    %get3A_12 = arith.constant 0 : index
    %get3A_13 = vector.load %arg8[%get3A_11, %get3A_12] : memref<400x1xf32, #tpu.memory_space<vmem>>, vector<80x1xf32>
    %get3A_14 = vector.shape_cast %get3A_13 : vector<80x1xf32> to vector<80xf32>
    %add3A = arith.addf %squeeze3A, %get3A_14 : vector<80xf32>
    %broadcast_in_dim3A = vector.shape_cast %add3A : vector<80xf32> to vector<1x80xf32>
    %get3A_15 = arith.constant 0 : index
    %get3A_16 = arith.constant 0 : index
    %get3A_17 = vector.load %arg9[%get3A_15, %get3A_16] : memref<400x10xf32, #tpu.memory_space<vmem>>, vector<80x10xf32>
    %dot_general3A_18 = arith.constant dense<0.000000e+00> : vector<1x10xf32>
    %dot_general3A_19 = tpu.matmul %broadcast_in_dim3A, %get3A_17, %dot_general3A_18 {dimension_numbers = #tpu.dot_dimension_numbers<[1], [0], [0], [1], [0, 0, 1, 1], [], []>, transpose_lhs_hint = false} : vector<1x80xf32>, vector<80x10xf32>, vector<1x10xf32> -> vector<1x10xf32>
    %add3A_20 = arith.addf %get3A_6, %dot_general3A_19 : vector<1x10xf32>
    %get3A_21 = arith.constant 0 : index
    %get3A_22 = arith.constant 0 : index
    %get3A_23 = vector.load %arg2[%get3A_21, %get3A_22] : memref<80x10000xf32, #tpu.memory_space<vmem>>, vector<80x10000xf32>
    %dot_general3A_24 = arith.constant dense<0.000000e+00> : vector<80x1xf32>
    %dot_general3A_25 = tpu.matmul %get3A_23, %get3A_3, %dot_general3A_24 {dimension_numbers = #tpu.dot_dimension_numbers<[1], [1], [0], [0], [0, 0, 1, 0], [], []>, transpose_lhs_hint = false} : vector<80x10000xf32>, vector<1x10000xf32>, vector<80x1xf32> -> vector<80x1xf32>
    %squeeze3A_26 = vector.shape_cast %dot_general3A_25 : vector<80x1xf32> to vector<80xf32>
    %get3A_27 = arith.constant 80 : index
    %get3A_28 = arith.constant 0 : index
    %get3A_29 = vector.load %arg8[%get3A_27, %get3A_28] : memref<400x1xf32, #tpu.memory_space<vmem>>, vector<80x1xf32>
    %get3A_30 = vector.shape_cast %get3A_29 : vector<80x1xf32> to vector<80xf32>
    %add3A_31 = arith.addf %squeeze3A_26, %get3A_30 : vector<80xf32>
    %broadcast_in_dim3A_32 = vector.shape_cast %add3A_31 : vector<80xf32> to vector<1x80xf32>
    %get3A_33 = arith.constant 80 : index
    %get3A_34 = arith.constant 0 : index
    %get3A_35 = vector.load %arg9[%get3A_33, %get3A_34] : memref<400x10xf32, #tpu.memory_space<vmem>>, vector<80x10xf32>
    %dot_general3A_36 = arith.constant dense<0.000000e+00> : vector<1x10xf32>
    %dot_general3A_37 = tpu.matmul %broadcast_in_dim3A_32, %get3A_35, %dot_general3A_36 {dimension_numbers = #tpu.dot_dimension_numbers<[1], [0], [0], [1], [0, 0, 1, 1], [], []>, transpose_lhs_hint = false} : vector<1x80xf32>, vector<80x10xf32>, vector<1x10xf32> -> vector<1x10xf32>
    %add3A_38 = arith.addf %add3A_20, %dot_general3A_37 : vector<1x10xf32>
    %get3A_39 = arith.constant 0 : index
    %get3A_40 = arith.constant 0 : index
    %get3A_41 = vector.load %arg3[%get3A_39, %get3A_40] : memref<80x10000xf32, #tpu.memory_space<vmem>>, vector<80x10000xf32>
    %dot_general3A_42 = arith.constant dense<0.000000e+00> : vector<80x1xf32>
    %dot_general3A_43 = tpu.matmul %get3A_41, %get3A_3, %dot_general3A_42 {dimension_numbers = #tpu.dot_dimension_numbers<[1], [1], [0], [0], [0, 0, 1, 0], [], []>, transpose_lhs_hint = false} : vector<80x10000xf32>, vector<1x10000xf32>, vector<80x1xf32> -> vector<80x1xf32>
    %squeeze3A_44 = vector.shape_cast %dot_general3A_43 : vector<80x1xf32> to vector<80xf32>
    %get3A_45 = arith.constant 160 : index
    %get3A_46 = arith.constant 0 : index
    %get3A_47 = vector.load %arg8[%get3A_45, %get3A_46] : memref<400x1xf32, #tpu.memory_space<vmem>>, vector<80x1xf32>
    %get3A_48 = vector.shape_cast %get3A_47 : vector<80x1xf32> to vector<80xf32>
    %add3A_49 = arith.addf %squeeze3A_44, %get3A_48 : vector<80xf32>
    %broadcast_in_dim3A_50 = vector.shape_cast %add3A_49 : vector<80xf32> to vector<1x80xf32>
    %get3A_51 = arith.constant 160 : index
    %get3A_52 = arith.constant 0 : index
    %get3A_53 = vector.load %arg9[%get3A_51, %get3A_52] : memref<400x10xf32, #tpu.memory_space<vmem>>, vector<80x10xf32>
    %dot_general3A_54 = arith.constant dense<0.000000e+00> : vector<1x10xf32>
    %dot_general3A_55 = tpu.matmul %broadcast_in_dim3A_50, %get3A_53, %dot_general3A_54 {dimension_numbers = #tpu.dot_dimension_numbers<[1], [0], [0], [1], [0, 0, 1, 1], [], []>, transpose_lhs_hint = false} : vector<1x80xf32>, vector<80x10xf32>, vector<1x10xf32> -> vector<1x10xf32>
    %add3A_56 = arith.addf %add3A_38, %dot_general3A_55 : vector<1x10xf32>
    %get3A_57 = arith.constant 0 : index
    %get3A_58 = arith.constant 0 : index
    %get3A_59 = vector.load %arg4[%get3A_57, %get3A_58] : memref<80x10000xf32, #tpu.memory_space<vmem>>, vector<80x10000xf32>
    %dot_general3A_60 = arith.constant dense<0.000000e+00> : vector<80x1xf32>
    %dot_general3A_61 = tpu.matmul %get3A_59, %get3A_3, %dot_general3A_60 {dimension_numbers = #tpu.dot_dimension_numbers<[1], [1], [0], [0], [0, 0, 1, 0], [], []>, transpose_lhs_hint = false} : vector<80x10000xf32>, vector<1x10000xf32>, vector<80x1xf32> -> vector<80x1xf32>
    %squeeze3A_62 = vector.shape_cast %dot_general3A_61 : vector<80x1xf32> to vector<80xf32>
    %get3A_63 = arith.constant 240 : index
    %get3A_64 = arith.constant 0 : index
    %get3A_65 = vector.load %arg8[%get3A_63, %get3A_64] : memref<400x1xf32, #tpu.memory_space<vmem>>, vector<80x1xf32>
    %get3A_66 = vector.shape_cast %get3A_65 : vector<80x1xf32> to vector<80xf32>
    %add3A_67 = arith.addf %squeeze3A_62, %get3A_66 : vector<80xf32>
    %broadcast_in_dim3A_68 = vector.shape_cast %add3A_67 : vector<80xf32> to vector<1x80xf32>
    %get3A_69 = arith.constant 240 : index
    %get3A_70 = arith.constant 0 : index
    %get3A_71 = vector.load %arg9[%get3A_69, %get3A_70] : memref<400x10xf32, #tpu.memory_space<vmem>>, vector<80x10xf32>
    %dot_general3A_72 = arith.constant dense<0.000000e+00> : vector<1x10xf32>
    %dot_general3A_73 = tpu.matmul %broadcast_in_dim3A_68, %get3A_71, %dot_general3A_72 {dimension_numbers = #tpu.dot_dimension_numbers<[1], [0], [0], [1], [0, 0, 1, 1], [], []>, transpose_lhs_hint = false} : vector<1x80xf32>, vector<80x10xf32>, vector<1x10xf32> -> vector<1x10xf32>
    %add3A_74 = arith.addf %add3A_56, %dot_general3A_73 : vector<1x10xf32>
    %get3A_75 = arith.constant 0 : index
    %get3A_76 = arith.constant 0 : index
    %get3A_77 = vector.load %arg5[%get3A_75, %get3A_76] : memref<80x10000xf32, #tpu.memory_space<vmem>>, vector<80x10000xf32>
    %dot_general3A_78 = arith.constant dense<0.000000e+00> : vector<80x1xf32>
    %dot_general3A_79 = tpu.matmul %get3A_77, %get3A_3, %dot_general3A_78 {dimension_numbers = #tpu.dot_dimension_numbers<[1], [1], [0], [0], [0, 0, 1, 0], [], []>, transpose_lhs_hint = false} : vector<80x10000xf32>, vector<1x10000xf32>, vector<80x1xf32> -> vector<80x1xf32>
    %squeeze3A_80 = vector.shape_cast %dot_general3A_79 : vector<80x1xf32> to vector<80xf32>
    %get3A_81 = arith.constant 320 : index
    %get3A_82 = arith.constant 0 : index
    %get3A_83 = vector.load %arg8[%get3A_81, %get3A_82] : memref<400x1xf32, #tpu.memory_space<vmem>>, vector<80x1xf32>
    %get3A_84 = vector.shape_cast %get3A_83 : vector<80x1xf32> to vector<80xf32>
    %add3A_85 = arith.addf %squeeze3A_80, %get3A_84 : vector<80xf32>
    %broadcast_in_dim3A_86 = vector.shape_cast %add3A_85 : vector<80xf32> to vector<1x80xf32>
    %get3A_87 = arith.constant 320 : index
    %get3A_88 = arith.constant 0 : index
    %get3A_89 = vector.load %arg9[%get3A_87, %get3A_88] : memref<400x10xf32, #tpu.memory_space<vmem>>, vector<80x10xf32>
    %dot_general3A_90 = arith.constant dense<0.000000e+00> : vector<1x10xf32>
    %dot_general3A_91 = tpu.matmul %broadcast_in_dim3A_86, %get3A_89, %dot_general3A_90 {dimension_numbers = #tpu.dot_dimension_numbers<[1], [0], [0], [1], [0, 0, 1, 1], [], []>, transpose_lhs_hint = false} : vector<1x80xf32>, vector<80x10xf32>, vector<1x10xf32> -> vector<1x10xf32>
    %add3A_92 = arith.addf %add3A_74, %dot_general3A_91 : vector<1x10xf32>
    %swap3A = arith.constant 0 : index
    %swap3A_93 = arith.constant 0 : index
    %swap3A_94 = vector.load %arg13[%swap3A, %swap3A_93] : memref<1x10xf32, #tpu.memory_space<vmem>>, vector<1x10xf32>
    tpu.vector_store %arg13[%swap3A, %swap3A_93], %add3A_92 {strides = array<i32>} : memref<1x10xf32, #tpu.memory_space<vmem>>, vector<1x10xf32>,
    %eq3A_95 = arith.constant 24 : i32
    %eq3A_96 = arith.cmpi eq, %arg0, %eq3A_95 : i32
    %convert_element_type3A_97 = arith.extui %eq3A_96 : i1 to i32
    %cond3A_98 = arith.constant 0 : i32
    %cond3A_99 = arith.cmpi ne, %convert_element_type3A_97, %cond3A_98 : i32
    scf.if %cond3A_99 {
      %get3A_100 = arith.constant 0 : index
      %get3A_101 = arith.constant 0 : index
      %get3A_102 = vector.load %arg13[%get3A_100, %get3A_101] : memref<1x10xf32, #tpu.memory_space<vmem>>, vector<1x10xf32>
      %get3A_103 = arith.constant 0 : index
      %get3A_104 = arith.constant 0 : index
      %get3A_105 = vector.load %arg10[%get3A_103, %get3A_104] : memref<1x10xf32, #tpu.memory_space<vmem>>, vector<1x10xf32>
      %add3A_106 = arith.addf %get3A_102, %get3A_105 : vector<1x10xf32>
      %swap3A_107 = arith.constant 0 : index
      %swap3A_108 = arith.constant 0 : index
      %swap3A_109 = vector.load %arg11[%swap3A_107, %swap3A_108] : memref<1x10xf32, #tpu.memory_space<vmem>>, vector<1x10xf32>
      tpu.vector_store %arg11[%swap3A_107, %swap3A_108], %add3A_106 {strides = array<i32>} : memref<1x10xf32, #tpu.memory_space<vmem>>, vector<1x10xf32>,
    } else {
    }
    return
  }
  func.func @transform_0(%arg0: i32) -> (i32, i32) {
    %mul3A = arith.constant 5 : i32
    %mul3A_0 = arith.muli %mul3A, %arg0 : i32
    %add3A = arith.constant 0 : i32
    %add3A_1 = arith.addi %mul3A_0, %add3A : i32
    %c0_i32 = arith.constant 0 : i32
    %c0_i32_2 = arith.constant 0 : i32
    return %add3A_1, %c0_i32 : i32, i32
  }
  func.func @transform_1(%arg0: i32) -> (i32, i32) {
    %mul3A = arith.constant 5 : i32
    %mul3A_0 = arith.muli %mul3A, %arg0 : i32
    %add3A = arith.constant 1 : i32
    %add3A_1 = arith.addi %mul3A_0, %add3A : i32
    %c0_i32 = arith.constant 0 : i32
    %c0_i32_2 = arith.constant 0 : i32
    return %add3A_1, %c0_i32 : i32, i32
  }
  func.func @transform_2(%arg0: i32) -> (i32, i32) {
    %mul3A = arith.constant 5 : i32
    %mul3A_0 = arith.muli %mul3A, %arg0 : i32
    %add3A = arith.constant 2 : i32
    %add3A_1 = arith.addi %mul3A_0, %add3A : i32
    %c0_i32 = arith.constant 0 : i32
    %c0_i32_2 = arith.constant 0 : i32
    return %add3A_1, %c0_i32 : i32, i32
  }
  func.func @transform_3(%arg0: i32) -> (i32, i32) {
    %mul3A = arith.constant 5 : i32
    %mul3A_0 = arith.muli %mul3A, %arg0 : i32
    %add3A = arith.constant 3 : i32
    %add3A_1 = arith.addi %mul3A_0, %add3A : i32
    %c0_i32 = arith.constant 0 : i32
    %c0_i32_2 = arith.constant 0 : i32
    return %add3A_1, %c0_i32 : i32, i32
  }
  func.func @transform_4(%arg0: i32) -> (i32, i32) {
    %mul3A = arith.constant 5 : i32
    %mul3A_0 = arith.muli %mul3A, %arg0 : i32
    %add3A = arith.constant 4 : i32
    %add3A_1 = arith.addi %mul3A_0, %add3A : i32
    %c0_i32 = arith.constant 0 : i32
    %c0_i32_2 = arith.constant 0 : i32
    return %add3A_1, %c0_i32 : i32, i32
  }
  func.func @transform_5(%arg0: i32) -> (i32, i32) {
    %c0_i32 = arith.constant 0 : i32
    %c0_i32_0 = arith.constant 0 : i32
    %c0_i32_1 = arith.constant 0 : i32
    return %c0_i32, %c0_i32_0 : i32, i32
  }
  func.func @transform_6(%arg0: i32) -> (i32, i32) {
    %c0_i32 = arith.constant 0 : i32
    %c0_i32_0 = arith.constant 0 : i32
    %c0_i32_1 = arith.constant 0 : i32
    return %c0_i32, %c0_i32_0 : i32, i32
  }
  func.func @transform_7(%arg0: i32) -> (i32, i32) {
    %c0_i32 = arith.constant 0 : i32
    %c0_i32_0 = arith.constant 0 : i32
    return %arg0, %c0_i32 : i32, i32
  }
  func.func @transform_8(%arg0: i32) -> (i32, i32) {
    %c0_i32 = arith.constant 0 : i32
    %c0_i32_0 = arith.constant 0 : i32
    return %arg0, %c0_i32 : i32, i32
  }
  func.func @transform_9(%arg0: i32) -> (i32, i32) {
    %c0_i32 = arith.constant 0 : i32
    %c0_i32_0 = arith.constant 0 : i32
    %c0_i32_1 = arith.constant 0 : i32
    return %c0_i32, %c0_i32_0 : i32, i32
  }
  func.func @transform_10(%arg0: i32) -> (i32, i32) {
    %c0_i32 = arith.constant 0 : i32
    %c0_i32_0 = arith.constant 0 : i32
    %c0_i32_1 = arith.constant 0 : i32
    return %c0_i32, %c0_i32_0 : i32, i32
  }
}

</mosaic_0001>

<sc_bundles>
// kernel: kernel.10.cloned.1.call-start
scs
__scs_entry_jumppad:
0x0: {  	(pc) =	sbr.rel $0x88, $3  }
0x1: {  	(tag) =	ssettag $0x0;
	lr =	simm.s32 $0x1  }
0x2: {  	[smem:$0x3F98] =	sst lr;
	_ =	strace $0xD0000000  }
0x3: {  	_ = 	snop  }
0x4: {  	_ = 	snop  }
0x5: {  	_ = 	snop  }
0x6: {  	_ = 	snop  }
0x7: {  	_ = 	snop  }
__scs_overlays_trampoline_lowered:
0x8: {  	[smem:$0x3FA7] =	sst s0  }
0x9: {  	[smem:$0x3FA8] =	sst s1  }
0xa: {  	[smem:$0x3FA9] =	sst s2  }
0xb: {  	[smem:$0x3FAA] =	sst s3  }
0xc: {  	[smem:$0x3FAB] =	sst s4  }
0xd: {  	[smem:$0x3FAC] =	sst s5  }
0xe: {  	[smem:$0x3FAD] =	sst s6  }
0xf: {  	[smem:$0x3FAE] =	sst s7  }
0x10: {  	[smem:$0x3FAF] =	sst s8  }
0x11: {  	[smem:$0x3FB0] =	sst s9;
	s0 =	simm.s32 @!p0 $0x0  }
0x12: {  	s1 =	sld [smem:$0x3F96];
	s0 =	simm.s32 @p0 $0x1  }
0x13: {  	[smem:$0x3FB1] =	sst s0;
	s0 =	simm.s32 @!p1 $0x0  }
0x14: {  	s2 =	sld [smem:$0x3F95];
	s0 =	simm.s32 @p1 $0x1  }
0x15: {  	[smem:$0x3FB2] =	sst s0;
	s0 =	simm.s32 @!p2 $0x0  }
0x16: {  	s3 =	sld [smem:$0x3FDB];
	s0 =	simm.s32 @p2 $0x1  }
0x17: {  	s4 =	simm.s32 $0x1BF5;
	[smem:$0x3FB4] =	sst s0  }
0x18: {  	s0 =	sld [smem:$0x3F97];
	_ =	swait.ge [sflag:s4], $0x0  }
0x19: {  	s7 =	sld [smem:$0x3F98]  }
0x1a: {  	s8 =	sadd.s32 $0xFFFFE003, lr  }
0x1b: {  	s9 =	sadd.s32 $0xFFFFFEF7, lr;
	s5 =	simm.s32 $0xFFFFFFFF;
	p2 =	slt.u32 s8, $0xFFFFF086  }
0x1c: {  	p1 =	slt.u32 s9, $0xF7A;
	s5 =	simm.s32 @!p2 $0x0  }
0x1d: {  	s5 =	simm.s32 @p1 $0x1;
	p0 =	seq.s32 s7, s2  }
0x1e: {  	s7 =	smul.u32 @!p0 $0xF7A, s2;
	p2 =	seq.s32 @!p0 s5, $0x0  }
0x1f: {  	s9 =	smul.u32 $0xF7A, s1;
	s8 =	simm.s32 @!p0 $0x1BF5;
	p2 =	por !p2, p0  }
0x20: {  	[sflag:s8] =	ssyncset.s32 @!p0 $0xFFFFF086;
	s6 =	sadd.s32 @!p0 s3, s7;
	s7 =	simm.s32 @!p0 $0x108  }
0x21: {  	s3 =	sadd.s32 s3, s9;
	s6 =	sadd.s32 @!p0 $0x88, s6;
	s7 =	simm.s32 @p2 $0x1082  }
0x22: {  	[simem:s7], [sflag:s8] =	dma.local @!p0 [hbm:s6], $0xF7A  }
0x23: {  	s9 =	sor.u32 $0xD0000000, s2;
	s6 =	simm.s32 $0x108;
	_ =	swait.ge @!p0 [sflag:s8], $0x0  }
0x24: {  	s3 =	sadd.s32 $0x88, s3;
	s6 =	simm.s32 @!p1 $0x1082;
	[sflag:s4] =	ssyncset.s32 $0xFFFFF086  }
0x25: {  	[simem:s6], [sflag:s4] =	dma.local [hbm:s3], $0xF7A  }
0x26: {  	[smem:$0x3F98] =	sst s1;
	(tag) =	ssettag s2;
	_ =	strace s9  }
0x27: {  	s1 =	sld [smem:$0x3FA8]  }
0x28: {  	s2 =	sld [smem:$0x3FA9]  }
0x29: {  	s4 =	sld [smem:$0x3FAB]  }
0x2a: {  	p0 =	seq.s32 s5, $0x0;
	s5 =	sld [smem:$0x3FAC]  }
0x2b: {  	s6 =	sld [smem:$0x3FAD]  }
0x2c: {  	s7 =	sld [smem:$0x3FAE]  }
0x2d: {  	s3 =	simm.s32 $0x108;
	s8 =	sld [smem:$0x3FAF]  }
0x2e: {  	s3 =	simm.s32 @!p0 $0x1082;
	s9 =	sld [smem:$0x3FB0]  }
0x2f: {  	lr =	sadd.s32 s0, s3;
	s0 =	sld [smem:$0x3FA7]  }
0x30: {  	s3 =	sld [smem:$0x3FAA]  }
0x31: {  	[smem:$0x3FB3] =	sst s10  }
0x32: {  	s10 =	sld [smem:$0x3FB1];
	_ =	sdelay $0x3  }
0x33: {  	p0 =	seq.s32 s10, $0x1;
	s10 =	sld [smem:$0x3FB3];
	_ =	sdelay $0x3  }
0x34: {  	[smem:$0x3FB3] =	sst s10  }
0x35: {  	s10 =	sld [smem:$0x3FB2];
	_ =	sdelay $0x3  }
0x36: {  	p1 =	seq.s32 s10, $0x1;
	s10 =	sld [smem:$0x3FB3];
	_ =	sdelay $0x3  }
0x37: {  	[smem:$0x3FB3] =	sst s10  }
0x38: {  	s10 =	sld [smem:$0x3FB4]  }
0x39: {  	_ = 	snop;
	(pc) =	sbr.ind lr, $3  }
0x3a: {  	_ = 	snop  }
0x3b: {  	_ = 	snop  }
0x3c: {  	p2 =	seq.s32 s10, $0x1;
	s10 =	sld [smem:$0x3FB3]  }
0x3d: {  	_ =	shalt  }
0x3e: {  	_ =	shalt  }
0x3f: {  	_ =	shalt  }
0x40: {  	_ =	shalt  }
0x41: {  	_ =	shalt  }
0x42: {  	_ =	shalt  }
0x43: {  	_ =	shalt  }
0x44: {  	_ =	shalt  }
0x45: {  	_ =	shalt  }
0x46: {  	_ =	shalt  }
0x47: {  	_ =	shalt  }
0x48: {  	_ =	shalt  }
0x49: {  	_ =	shalt  }
0x4a: {  	_ =	shalt  }
0x4b: {  	_ =	shalt  }
0x4c: {  	_ =	shalt  }
0x4d: {  	_ =	shalt  }
0x4e: {  	_ =	shalt  }
0x4f: {  	_ =	shalt  }
0x50: {  	_ =	shalt  }
0x51: {  	_ =	shalt  }
0x52: {  	_ =	shalt  }
0x53: {  	_ =	shalt  }
0x54: {  	_ =	shalt  }
0x55: {  	_ =	shalt  }
0x56: {  	_ =	shalt  }
0x57: {  	_ =	shalt  }
0x58: {  	_ =	shalt  }
0x59: {  	_ =	shalt  }
0x5a: {  	_ =	shalt  }
0x5b: {  	_ =	shalt  }
0x5c: {  	_ =	shalt  }
0x5d: {  	_ =	shalt  }
0x5e: {  	_ =	shalt  }
0x5f: {  	_ =	shalt  }
0x60: {  	_ =	shalt  }
0x61: {  	_ =	shalt  }
0x62: {  	_ =	shalt  }
0x63: {  	_ =	shalt  }
0x64: {  	_ =	shalt  }
0x65: {  	_ =	shalt  }
0x66: {  	_ =	shalt  }
0x67: {  	_ =	shalt  }
0x68: {  	_ =	shalt  }
0x69: {  	_ =	shalt  }
0x6a: {  	_ =	shalt  }
0x6b: {  	_ =	shalt  }
0x6c: {  	_ =	shalt  }
0x6d: {  	_ =	shalt  }
0x6e: {  	_ =	shalt  }
0x6f: {  	_ =	shalt  }
0x70: {  	_ =	shalt  }
0x71: {  	_ =	shalt  }
0x72: {  	_ =	shalt  }
0x73: {  	_ =	shalt  }
0x74: {  	_ =	shalt  }
0x75: {  	_ =	shalt  }
0x76: {  	_ =	shalt  }
0x77: {  	_ =	shalt  }
0x78: {  	_ =	shalt  }
0x79: {  	_ =	shalt  }
0x7a: {  	_ =	shalt  }
0x7b: {  	_ =	shalt  }
0x7c: {  	_ =	shalt  }
0x7d: {  	_ =	shalt  }
0x7e: {  	_ =	shalt  }
0x7f: {  	_ =	shalt  }
0x80: {  	_ =	shalt  }
0x81: {  	_ =	shalt  }
0x82: {  	_ =	shalt  }
0x83: {  	_ =	shalt  }
0x84: {  	_ =	shalt  }
0x85: {  	_ =	shalt  }
0x86: {  	_ =	shalt  }
0x87: {  	_ =	shalt  }
.Lfunc_end0:
.L_simem_size_0:
called_computation.1_lowered:
.L_overlay_start_0:
0x88: {  	s2 =	sld [smem:$0x3FD9]  }
0x89: {  	s3 =	sld [smem:$0x3FFE];
	_ =	sdelay $0x1  }
0x8a: {  	s1 =	srdreg.scid  }
0x8b: {  	s0 =	sand.u32 $0x1, s1  }
0x8c: {  	s16 =	sshll.u32 s0, $0xA;
	s2 =	sadd.s32 s3, s2  }
0x8d: {  	s2 =	sadd.s32 s2, s16  }
0x8e: {  	[smem:$0x3FBF] =	sst s2  }
0x8f: {  	_ = 	snop  }
0x90: {  	(tm) =	ssettm $0x1  }
0x91: {  	s17 =	sld [smem:$0x3FFB];
	_ =	sdelay $0x3  }
0x92: {  	_ =	strace s17  }
0x93: {  	s2 =	sld [smem:$0x3FFC];
	_ =	sdelay $0x3  }
0x94: {  	_ =	strace s2  }
0x95: {  	s2 =	sld [smem:$0x3FFD];
	_ =	sdelay $0x3  }
0x96: {  	_ =	strace s2  }
0x97: {  	_ =	strace $0x8FFFFFFF  }
0x98: {  	s18 =	sld [smem:$0x3FDB];
	_ =	sdelay $0x1  }
0x99: {  	s19 =	simm.s32 $_scs_section_size  }
0x9a: {  	s4 =	simm.s32 $_size__tile_overlayer_lowered;
	s5 =	simm.s32 $_tile_overlayer_lowered  }
0x9b: {  	s22 =	simm.s32 $0x1BFF;
	s21 =	sshll.u32 s5, $0x1;
	s2 =	sadd.s32 s19, s18  }
0x9c: {  	s6 =	simm.s32 $0x0;
	s20 =	sshll.u32 s4, $0x1;
	s4 =	sadd.s32 s21, s2  }
0x9d: {  	[timem:s6], [sflag:s22] =	dma.local [hbm:s4], s20  }
0x9e: {  	_ =	swait.ge [sflag:s22], s20  }
0x9f: {  	s3 =	ssub.s32 $0x0, s20;
	[sflag:s22] =	ssyncset.done $0x0  }
0xa0: {  	[sflag:s22] =	ssyncadd.s32 s3;
	_ =	sdelay $0x1  }
0xa1: {  	s23 =	simm.s32 $0x1B8B  }
0xa2: {  	_ =	swait.ge [sflag:s23], $0x1  }
0xa3: {  	[sflag:s23] =	ssyncset.done $0x0  }
0xa4: {  	s25 =	simm.s32 $0x1B8E;
	s24 =	sld [smem:$0x3FFE];
	[sflag:s23] =	ssyncadd.s32 $0xFFFFFFFF  }
0xa5: {  	s26 =	simm.s32 $execute0_lowered;
	[smem:$0x3FD2] =	sst s25  }
0xa6: {  	s4 =	sshll.u32 s26, $0x1;
	_ =	strace $0x80000049;
	[dreg:$0x1] =	wrdreg $0xFFFFFFFF  }
0xa7: {  	s28 =	simm.s32 $_size_execute0_lowered;
	s2 =	sadd.s32 s2, s4;
	[dreg:$0x0] =	wrdreg $0x0  }
0xa8: {  	s4 =	sshll.u32 s28, $0x1;
	[dreg:$0x2] =	wrdreg s2  }
0xa9: {  	[dreg:$0x3] =	wrdreg s4  }
0xaa: {  	[dreg:$0x4] =	wrdreg $0xC0  }
0xab: {  	_ =	task [dreg:s6], $0x5FFFF  }
0xac: {  	[dreg:$0x1] =	wrdreg $0xFFFFFFFF  }
0xad: {  	[dreg:$0x0] =	wrdreg $0x60  }
0xae: {  	[dreg:$0x2] =	wrdreg s24  }
0xaf: {  	[dreg:$0x3] =	wrdreg $0x9  }
0xb0: {  	_ =	task.clear_ibuf [dreg:s6], $0x4FFFF;
	_ =	strace $0x90000049  }
0xb1: {  	s29 =	simm.s32 $0x9;
	_ =	strace $0x8000004B  }
0xb2: {  	_ =	swait.ge [sflag:s29], $0x1  }
0xb3: {  	[sflag:s29] =	ssyncadd.s32 $0xFFFFFFFF  }
0xb4: {  	_ =	strace $0x9000004B  }
0xb5: {  	_ =	sfence  }
0xb6: {  	s30 =	sld [smem:$0x0];
	_ =	sdelay $0x2  }
0xb7: {  	s31 =	sshll.u32 s1, $0xD;
	s1 =	sshrl.u32 s1, $0x2  }
0xb8: {  	s3 =	sand.u32 $0x4000, s31;
	s1 =	sadd.s32 s1, s30  }
0xb9: {  	s0 =	sor.u32 s3, s0;
	s1 =	sshll.u32 s1, $0x11  }
0xba: {  	s0 =	sor.u32 s1, s0  }
0xbb: {  	s0 =	sadd.s32 $0x8F2B, s0  }
0xbc: {  	[sflag:s0] =	ssyncadd.remote.s32 $0x1  }
0xbd: {  	_ =	sfence.sel $0xFFFF  }
0xbe: {  	[dreg:$0x0] =	wrdreg $0xFFFFFFFF;
	(pc) =	sbr.abs _section_cstart, $3  }
0xbf: {  	[dreg:$0x1] =	wrdreg $0xFFFFFFFF  }
0xc0: {  	_ =	task.clear_ibuf [dreg:s6], $0x2FFFF;
	_ =	strace $0x9FFFFFFF  }
0xc1: {  	(tm) =	ssettm $0x7FFFFFFF  }
tec
execute0_lowered:
.L_overlay_start_1:
0x0: {  	(tag) =	ssettag $0x1  }
0x1: {  	s1 =	srdreg.scid  }
0x2: {  	s0 =	stileid.u32;
	s4 =	rddreg [dreg:$0x0];
	s2 =	simm.s32 $0x0  }
0x3: {  	s9 =	simm.s32 $0x2780;
	s3 =	sand.u32 $0x1, s1;
	s5 =	sshll.u32 s0, $0x1  }
0x4: {  	s10 =	simm.s32 $0x4F00;
	s11 =	simm.s32 $0x7680;
	s5 =	sor.u32 s3, s5  }
0x5: {  	s1 =	rddreg [dreg:$0x1];
	s6 =	ssub.s32 $0x2, s3;
	s5 =	smul.u32 $0x4E2, s5  }
0x6: {  	s12 =	simm.s32 $0x0;
	[smem:$0x7FF] =	sst s2;
	s7 =	sshrl.u32 s6, $0x1  }
0x7: {  	_ =	strace $0x8000004A;
	s7 =	ssub.s32 s6, s7;
	s8 =	sadd.s32 s5, s4  }
0x8: {  	s3 =	sadd.s32 $0x14400, s4;
	s7 =	smax.u32 s7, $0x1;
	s4 =	sadd.s32 $0xA600, s8  }
0x9: {  	v0 =	vimm.f32 $0.0e+00;
	s5 =	sadd.s32 $0x800, s8;
	s6 =	sadd.s32 $0x14A00, s8;
	s8 =	simm.s32 $0x1  }
.LBB2_1:
0xa: {  	[tilespmem:s2], [sflag:$0x1] =	stream.linear.gather [hbm4b:s4+s2], $0x2710, $0x38;
	[tilespmem:$0x9E00] =	vst v63  }
0xb: {  	_ =	swait.ge [sflag:s8], $0x2710  }
0xc: {  	[sflag:s8] =	ssyncset.done $0x0  }
0xd: {  	[sflag:s8] =	ssyncadd.s32 $0xFFFFD8F0  }
0xe: {  	[tilespmem:s9], [sflag:$0x1] =	stream.linear.gather [hbm4b:s5+s2], $0x2710, $0x38;
	[tilespmem:$0x9E00] =	vst v63  }
0xf: {  	_ =	swait.ge [sflag:s8], $0x2710  }
0x10: {  	[sflag:s8] =	ssyncset.done $0x0  }
0x11: {  	[sflag:s8] =	ssyncadd.s32 $0xFFFFD8F0  }
0x12: {  	[tilespmem:s10], [sflag:$0x1] =	stream.linear.gather [hbm4b:s3+s2], $0x2780, $0x38;
	[tilespmem:$0x9E00] =	vst v63  }
0x13: {  	_ =	swait.ge [sflag:s8], $0x2780  }
0x14: {  	[sflag:s8] =	ssyncset.done $0x0  }
0x15: {  	s13 =	simm.s32 $0x76C0;
	[sflag:s8] =	ssyncadd.s32 $0xFFFFD880  }
0x16: {  	[tilespmem:s13+$0xFFFFFFC0] =	vst v0  }
0x17: {  	[tilespmem:s13+$0x30] =	vst v0  }
0x18: {  	[tilespmem:s13+$0x20] =	vst v0  }
0x19: {  	[tilespmem:s13+$0x10] =	vst v0  }
0x1a: {  	[tilespmem:s13+$0x0] =	vst v0  }
0x1b: {  	[tilespmem:s13+$0xFFFFFFF0] =	vst v0  }
0x1c: {  	s14 =	simm.s32 $0x0;
	[tilespmem:s13+$0xFFFFFFE0] =	vst v0  }
.LBB2_2:
0x1d: {  	s14 =	sadd.s32 $0x8, s14;
	[tilespmem:s13+$0xFFFFFFD0] =	vst v0;
	s13 =	sadd.s32 $0x80, s13  }
0x1e: {  	[tilespmem:s13+$0xFFFFFFC0] =	vst v0;
	p0 =	slt.u32 s14, $0x268  }
0x1f: {  	[tilespmem:s13+$0x30] =	vst v0  }
.Ltmp0:
0x20: {  	[tilespmem:s13+$0x20] =	vst v0;
	(pc) =	sbr.rel @p0 .LBB2_2-.Ltmp0, $4  }
0x21: {  	[tilespmem:s13+$0x10] =	vst v0  }
0x22: {  	[tilespmem:s13+$0x0] =	vst v0  }
0x23: {  	[tilespmem:s13+$0xFFFFFFF0] =	vst v0  }
0x24: {  	[tilespmem:s13+$0xFFFFFFE0] =	vst v0  }
0x25: {  	[tilespmem:s13+$0xFFFFFFD0] =	vst v0  }
0x26: {  	s13 =	simm.s32 $0xFFFFFFF0;
	s14 =	simm.s32 $0x2800;
	s15 =	simm.s32 $0x80;
	[tilespmem:$0x9D80] =	vst v0  }
.LBB2_4:
0x27: {  	v1 =	vld [tilespmem:s15+$0xFFFFFF80];
	_ =	sdelay $0x1  }
0x28: {  	v2 =	vld [tilespmem:s14+$0xFFFFFF80];
	_ =	sdelay $0x4  }
0x29: {  	vm0 =	vne.s32 v1, v2  }
0x2a: {  	v1 =	vld.idx.msk [tilespmem:v1+s10+$0x0], $0xffff;
	_ =	sdelay $0x4  }
0x2b: {  	[tilespmem:v2+s11+$0x0] =	vst.idx.add.f32.msk vm0, v1  }
0x2c: {  	v1 =	vld [tilespmem:s15+$0xFFFFFF90];
	_ =	sdelay $0x1  }
0x2d: {  	v2 =	vld [tilespmem:s14+$0xFFFFFF90];
	_ =	sdelay $0x4  }
0x2e: {  	vm13 =	vne.s32 v1, v2  }
0x2f: {  	v1 =	vld.idx.msk [tilespmem:v1+s10+$0x0], $0xffff;
	_ =	sdelay $0x4  }
0x30: {  	[tilespmem:v2+s11+$0x0] =	vst.idx.add.f32.msk vm13, v1  }
0x31: {  	v1 =	vld [tilespmem:s15+$0xFFFFFFA0];
	_ =	sdelay $0x1  }
0x32: {  	v2 =	vld [tilespmem:s14+$0xFFFFFFA0];
	_ =	sdelay $0x4  }
0x33: {  	vm14 =	vne.s32 v1, v2  }
0x34: {  	v1 =	vld.idx.msk [tilespmem:v1+s10+$0x0], $0xffff;
	_ =	sdelay $0x4  }
0x35: {  	[tilespmem:v2+s11+$0x0] =	vst.idx.add.f32.msk vm14, v1  }
0x36: {  	v1 =	vld [tilespmem:s15+$0xFFFFFFB0];
	_ =	sdelay $0x1  }
0x37: {  	v2 =	vld [tilespmem:s14+$0xFFFFFFB0];
	_ =	sdelay $0x4  }
0x38: {  	vm15 =	vne.s32 v1, v2  }
0x39: {  	v1 =	vld.idx.msk [tilespmem:v1+s10+$0x0], $0xffff;
	_ =	sdelay $0x4  }
0x3a: {  	[tilespmem:v2+s11+$0x0] =	vst.idx.add.f32.msk vm15, v1  }
0x3b: {  	v1 =	vld [tilespmem:s15+$0xFFFFFFC0];
	_ =	sdelay $0x1  }
0x3c: {  	v2 =	vld [tilespmem:s14+$0xFFFFFFC0];
	_ =	sdelay $0x4  }
0x3d: {  	vm4 =	vne.s32 v1, v2  }
0x3e: {  	v1 =	vld.idx.msk [tilespmem:v1+s10+$0x0], $0xffff;
	_ =	sdelay $0x4  }
0x3f: {  	[tilespmem:v2+s11+$0x0] =	vst.idx.add.f32.msk vm4, v1  }
0x40: {  	v1 =	vld [tilespmem:s15+$0xFFFFFFD0];
	_ =	sdelay $0x1  }
0x41: {  	v2 =	vld [tilespmem:s14+$0xFFFFFFD0];
	_ =	sdelay $0x4  }
0x42: {  	vm5 =	vne.s32 v1, v2  }
0x43: {  	v1 =	vld.idx.msk [tilespmem:v1+s10+$0x0], $0xffff;
	_ =	sdelay $0x4  }
0x44: {  	[tilespmem:v2+s11+$0x0] =	vst.idx.add.f32.msk vm5, v1  }
0x45: {  	v1 =	vld [tilespmem:s15+$0xFFFFFFE0];
	_ =	sdelay $0x1  }
0x46: {  	v2 =	vld [tilespmem:s14+$0xFFFFFFE0];
	_ =	sdelay $0x4  }
0x47: {  	vm6 =	vne.s32 v1, v2  }
0x48: {  	v1 =	vld.idx.msk [tilespmem:v1+s10+$0x0], $0xffff;
	_ =	sdelay $0x4  }
0x49: {  	[tilespmem:v2+s11+$0x0] =	vst.idx.add.f32.msk vm6, v1  }
0x4a: {  	v1 =	vld [tilespmem:s15+$0xFFFFFFF0];
	_ =	sdelay $0x1  }
0x4b: {  	v2 =	vld [tilespmem:s14+$0xFFFFFFF0];
	_ =	sdelay $0x4  }
0x4c: {  	vm7 =	vne.s32 v1, v2  }
0x4d: {  	v1 =	vld.idx.msk [tilespmem:v1+s10+$0x0], $0xffff;
	_ =	sdelay $0x4  }
0x4e: {  	[tilespmem:v2+s11+$0x0] =	vst.idx.add.f32.msk vm7, v1  }
0x4f: {  	v1 =	vld [tilespmem:s15+$0x0];
	_ =	sdelay $0x1  }
0x50: {  	v2 =	vld [tilespmem:s14+$0x0];
	_ =	sdelay $0x4  }
0x51: {  	vm8 =	vne.s32 v1, v2  }
0x52: {  	v1 =	vld.idx.msk [tilespmem:v1+s10+$0x0], $0xffff;
	_ =	sdelay $0x4  }
0x53: {  	[tilespmem:v2+s11+$0x0] =	vst.idx.add.f32.msk vm8, v1  }
0x54: {  	v1 =	vld [tilespmem:s15+$0x10];
	_ =	sdelay $0x1  }
0x55: {  	v2 =	vld [tilespmem:s14+$0x10];
	_ =	sdelay $0x4  }
0x56: {  	vm9 =	vne.s32 v1, v2  }
0x57: {  	v1 =	vld.idx.msk [tilespmem:v1+s10+$0x0], $0xffff;
	_ =	sdelay $0x4  }
0x58: {  	[tilespmem:v2+s11+$0x0] =	vst.idx.add.f32.msk vm9, v1  }
0x59: {  	v1 =	vld [tilespmem:s15+$0x20];
	_ =	sdelay $0x1  }
0x5a: {  	v2 =	vld [tilespmem:s14+$0x20];
	_ =	sdelay $0x4  }
0x5b: {  	vm10 =	vne.s32 v1, v2  }
0x5c: {  	v1 =	vld.idx.msk [tilespmem:v1+s10+$0x0], $0xffff;
	_ =	sdelay $0x4  }
0x5d: {  	[tilespmem:v2+s11+$0x0] =	vst.idx.add.f32.msk vm10, v1  }
0x5e: {  	v1 =	vld [tilespmem:s15+$0x30];
	_ =	sdelay $0x1  }
0x5f: {  	v2 =	vld [tilespmem:s14+$0x30];
	_ =	sdelay $0x4  }
0x60: {  	vm11 =	vne.s32 v1, v2  }
0x61: {  	v1 =	vld.idx.msk [tilespmem:v1+s10+$0x0], $0xffff;
	_ =	sdelay $0x4  }
0x62: {  	[tilespmem:v2+s11+$0x0] =	vst.idx.add.f32.msk vm11, v1  }
0x63: {  	v1 =	vld [tilespmem:s15+$0x40];
	_ =	sdelay $0x1  }
0x64: {  	v2 =	vld [tilespmem:s14+$0x40];
	_ =	sdelay $0x4  }
0x65: {  	vm12 =	vne.s32 v1, v2  }
0x66: {  	v1 =	vld.idx.msk [tilespmem:v1+s10+$0x0], $0xffff;
	_ =	sdelay $0x4  }
0x67: {  	[tilespmem:v2+s11+$0x0] =	vst.idx.add.f32.msk vm12, v1  }
0x68: {  	v1 =	vld [tilespmem:s15+$0x50];
	_ =	sdelay $0x1  }
0x69: {  	v2 =	vld [tilespmem:s14+$0x50];
	_ =	sdelay $0x4  }
0x6a: {  	vm13 =	vne.s32 v1, v2  }
0x6b: {  	v1 =	vld.idx.msk [tilespmem:v1+s10+$0x0], $0xffff;
	_ =	sdelay $0x4  }
0x6c: {  	[tilespmem:v2+s11+$0x0] =	vst.idx.add.f32.msk vm13, v1  }
0x6d: {  	v1 =	vld [tilespmem:s15+$0x60];
	_ =	sdelay $0x1  }
0x6e: {  	v2 =	vld [tilespmem:s14+$0x60];
	_ =	sdelay $0x4  }
0x6f: {  	vm14 =	vne.s32 v1, v2  }
0x70: {  	v1 =	vld.idx.msk [tilespmem:v1+s10+$0x0], $0xffff;
	_ =	sdelay $0x4  }
0x71: {  	[tilespmem:v2+s11+$0x0] =	vst.idx.add.f32.msk vm14, v1  }
0x72: {  	v1 =	vld [tilespmem:s15+$0x70];
	_ =	sdelay $0x1  }
0x73: {  	v2 =	vld [tilespmem:s14+$0x70];
	_ =	sdelay $0x4  }
0x74: {  	s13 =	sadd.s32 $0x10, s13;
	vm15 =	vne.s32 v1, v2  }
0x75: {  	p0 =	slt.u32 s13, $0x260;
	v1 =	vld.idx.msk [tilespmem:v1+s10+$0x0], $0xffff  }
.Ltmp1:
0x76: {  	_ = 	snop;
	(pc) =	sbr.rel @p0 .LBB2_4-.Ltmp1, $2  }
0x77: {  	_ =	sdelay $0x2  }
0x78: {  	s14 =	sadd.s32 $0x100, s14;
	s15 =	sadd.s32 $0x100, s15;
	[tilespmem:v2+s11+$0x0] =	vst.idx.add.f32.msk vm15, v1  }
0x79: {  	v1 =	vld [tilespmem:$0x2700];
	_ =	sdelay $0x1  }
0x7a: {  	v2 =	vld [tilespmem:$0x4E80];
	_ =	sdelay $0x4  }
0x7b: {  	vm0 =	vne.s32 v1, v2  }
0x7c: {  	v1 =	vld.idx.msk [tilespmem:v1+s10+$0x0], $0xffff;
	_ =	sdelay $0x2  }
0x7d: {  	s12 =	sadd.s32 $0x1, s12  }
0x7e: {  	p0 =	sne.s32 s12, s7  }
.Ltmp2:
0x7f: {  	[tilespmem:v2+s11+$0x0] =	vst.idx.add.f32.msk vm0, v1;
	(pc) =	sbr.rel @p0 .LBB2_1-.Ltmp2, $4  }
0x80: {  	[hbm4b:s6+s2] =	stream.linear.scatter [tilespmem:s11], [sflag:$0x1], $0x2710, $0x38;
	[tilespmem:$0x9E00] =	vst v63  }
0x81: {  	_ =	swait.ge [sflag:s8], $0x2710  }
0x82: {  	[sflag:s8] =	ssyncset.done $0x0  }
0x83: {  	[sflag:s8] =	ssyncadd.s32 $0xFFFFD8F0  }
0x84: {  	_ =	sfence.sel $0x180000  }
0x85: {  	[bflag:$0x0] =	sbarrier.arrive $0xFFFF  }
0x86: {  	p0 =	sne.s32 s0, $0x0;
	_ =	strace $0x9000004A  }
0x87: {  	s0 =	sadd.s32 @!p0 $0x100000, s1;
	[bflag:$0x2] =	sbarrier.arrive $0xFFFF  }
0x88: {  	[sflag:s0] =	ssyncadd.tile.s32 @!p0 $0x1;
	_ =	shalt  }
.Lfunc_end2:
_tile_overlayer_lowered:
.L_overlay_start_2:
0x89: {  	(tag) =	ssettag $0x2  }
0x8a: {  	s0 =	rddreg [dreg:$0x0];
	s2 =	stileid.u32  }
0x8b: {  	s1 =	rddreg [dreg:$0x1];
	p0 =	sne.s32 s2, $0x0  }
0x8c: {  	s3 =	rddreg [dreg:$0x2];
	[bflag:$0x3] =	sbarrier.arrive $0xFFFF;
	s2 =	simm.s32 @!p0 $0x1C01  }
0x8d: {  	[timem:s3], [sflag:s2] =	dma.local @!p0 [hbm:s0], s1  }
0x8e: {  	s0 =	simm.s32 @!p0 $0x1  }
0x8f: {  	_ =	swait.ge @!p0 [sflag:s0], s1  }
0x90: {  	s1 =	ssub.s32 @!p0 $0x0, s1;
	[sflag:s0] =	ssyncset.done @!p0 $0x0  }
0x91: {  	[sflag:s0] =	ssyncadd.s32 @!p0 s1  }
0x92: {  	[bflag:$0x3] =	sbarrier.arrive $0xFFFF  }
0x93: {  	_ =	shalt  }

// kernel: kernel.7.cloned.1.call-start
scs
__scs_entry_jumppad:
0x0: {  	(pc) =	sbr.rel $0x88, $3  }
0x1: {  	(tag) =	ssettag $0x0;
	lr =	simm.s32 $0x1  }
0x2: {  	[smem:$0x3F98] =	sst lr;
	_ =	strace $0xD0000000  }
0x3: {  	_ = 	snop  }
0x4: {  	_ = 	snop  }
0x5: {  	_ = 	snop  }
0x6: {  	_ = 	snop  }
0x7: {  	_ = 	snop  }
__scs_overlays_trampoline_lowered:
0x8: {  	[smem:$0x3FA7] =	sst s0  }
0x9: {  	[smem:$0x3FA8] =	sst s1  }
0xa: {  	[smem:$0x3FA9] =	sst s2  }
0xb: {  	[smem:$0x3FAA] =	sst s3  }
0xc: {  	[smem:$0x3FAB] =	sst s4  }
0xd: {  	[smem:$0x3FAC] =	sst s5  }
0xe: {  	[smem:$0x3FAD] =	sst s6  }
0xf: {  	[smem:$0x3FAE] =	sst s7  }
0x10: {  	[smem:$0x3FAF] =	sst s8  }
0x11: {  	[smem:$0x3FB0] =	sst s9;
	s0 =	simm.s32 @!p0 $0x0  }
0x12: {  	s1 =	sld [smem:$0x3F96];
	s0 =	simm.s32 @p0 $0x1  }
0x13: {  	[smem:$0x3FB1] =	sst s0;
	s0 =	simm.s32 @!p1 $0x0  }
0x14: {  	s2 =	sld [smem:$0x3F95];
	s0 =	simm.s32 @p1 $0x1  }
0x15: {  	[smem:$0x3FB2] =	sst s0;
	s0 =	simm.s32 @!p2 $0x0  }
0x16: {  	s3 =	sld [smem:$0x3FDB];
	s0 =	simm.s32 @p2 $0x1  }
0x17: {  	s4 =	simm.s32 $0x1BF5;
	[smem:$0x3FB4] =	sst s0  }
0x18: {  	s0 =	sld [smem:$0x3F97];
	_ =	swait.ge [sflag:s4], $0x0  }
0x19: {  	s7 =	sld [smem:$0x3F98]  }
0x1a: {  	s8 =	sadd.s32 $0xFFFFE003, lr  }
0x1b: {  	s9 =	sadd.s32 $0xFFFFFEF7, lr;
	s5 =	simm.s32 $0xFFFFFFFF;
	p2 =	slt.u32 s8, $0xFFFFF086  }
0x1c: {  	p1 =	slt.u32 s9, $0xF7A;
	s5 =	simm.s32 @!p2 $0x0  }
0x1d: {  	s5 =	simm.s32 @p1 $0x1;
	p0 =	seq.s32 s7, s2  }
0x1e: {  	s7 =	smul.u32 @!p0 $0xF7A, s2;
	p2 =	seq.s32 @!p0 s5, $0x0  }
0x1f: {  	s9 =	smul.u32 $0xF7A, s1;
	s8 =	simm.s32 @!p0 $0x1BF5;
	p2 =	por !p2, p0  }
0x20: {  	[sflag:s8] =	ssyncset.s32 @!p0 $0xFFFFF086;
	s6 =	sadd.s32 @!p0 s3, s7;
	s7 =	simm.s32 @!p0 $0x108  }
0x21: {  	s3 =	sadd.s32 s3, s9;
	s6 =	sadd.s32 @!p0 $0x88, s6;
	s7 =	simm.s32 @p2 $0x1082  }
0x22: {  	[simem:s7], [sflag:s8] =	dma.local @!p0 [hbm:s6], $0xF7A  }
0x23: {  	s9 =	sor.u32 $0xD0000000, s2;
	s6 =	simm.s32 $0x108;
	_ =	swait.ge @!p0 [sflag:s8], $0x0  }
0x24: {  	s3 =	sadd.s32 $0x88, s3;
	s6 =	simm.s32 @!p1 $0x1082;
	[sflag:s4] =	ssyncset.s32 $0xFFFFF086  }
0x25: {  	[simem:s6], [sflag:s4] =	dma.local [hbm:s3], $0xF7A  }
0x26: {  	[smem:$0x3F98] =	sst s1;
	(tag) =	ssettag s2;
	_ =	strace s9  }
0x27: {  	s1 =	sld [smem:$0x3FA8]  }
0x28: {  	s2 =	sld [smem:$0x3FA9]  }
0x29: {  	s4 =	sld [smem:$0x3FAB]  }
0x2a: {  	p0 =	seq.s32 s5, $0x0;
	s5 =	sld [smem:$0x3FAC]  }
0x2b: {  	s6 =	sld [smem:$0x3FAD]  }
0x2c: {  	s7 =	sld [smem:$0x3FAE]  }
0x2d: {  	s3 =	simm.s32 $0x108;
	s8 =	sld [smem:$0x3FAF]  }
0x2e: {  	s3 =	simm.s32 @!p0 $0x1082;
	s9 =	sld [smem:$0x3FB0]  }
0x2f: {  	lr =	sadd.s32 s0, s3;
	s0 =	sld [smem:$0x3FA7]  }
0x30: {  	s3 =	sld [smem:$0x3FAA]  }
0x31: {  	[smem:$0x3FB3] =	sst s10  }
0x32: {  	s10 =	sld [smem:$0x3FB1];
	_ =	sdelay $0x3  }
0x33: {  	p0 =	seq.s32 s10, $0x1;
	s10 =	sld [smem:$0x3FB3];
	_ =	sdelay $0x3  }
0x34: {  	[smem:$0x3FB3] =	sst s10  }
0x35: {  	s10 =	sld [smem:$0x3FB2];
	_ =	sdelay $0x3  }
0x36: {  	p1 =	seq.s32 s10, $0x1;
	s10 =	sld [smem:$0x3FB3];
	_ =	sdelay $0x3  }
0x37: {  	[smem:$0x3FB3] =	sst s10  }
0x38: {  	s10 =	sld [smem:$0x3FB4]  }
0x39: {  	_ = 	snop;
	(pc) =	sbr.ind lr, $3  }
0x3a: {  	_ = 	snop  }
0x3b: {  	_ = 	snop  }
0x3c: {  	p2 =	seq.s32 s10, $0x1;
	s10 =	sld [smem:$0x3FB3]  }
0x3d: {  	_ =	shalt  }
0x3e: {  	_ =	shalt  }
0x3f: {  	_ =	shalt  }
0x40: {  	_ =	shalt  }
0x41: {  	_ =	shalt  }
0x42: {  	_ =	shalt  }
0x43: {  	_ =	shalt  }
0x44: {  	_ =	shalt  }
0x45: {  	_ =	shalt  }
0x46: {  	_ =	shalt  }
0x47: {  	_ =	shalt  }
0x48: {  	_ =	shalt  }
0x49: {  	_ =	shalt  }
0x4a: {  	_ =	shalt  }
0x4b: {  	_ =	shalt  }
0x4c: {  	_ =	shalt  }
0x4d: {  	_ =	shalt  }
0x4e: {  	_ =	shalt  }
0x4f: {  	_ =	shalt  }
0x50: {  	_ =	shalt  }
0x51: {  	_ =	shalt  }
0x52: {  	_ =	shalt  }
0x53: {  	_ =	shalt  }
0x54: {  	_ =	shalt  }
0x55: {  	_ =	shalt  }
0x56: {  	_ =	shalt  }
0x57: {  	_ =	shalt  }
0x58: {  	_ =	shalt  }
0x59: {  	_ =	shalt  }
0x5a: {  	_ =	shalt  }
0x5b: {  	_ =	shalt  }
0x5c: {  	_ =	shalt  }
0x5d: {  	_ =	shalt  }
0x5e: {  	_ =	shalt  }
0x5f: {  	_ =	shalt  }
0x60: {  	_ =	shalt  }
0x61: {  	_ =	shalt  }
0x62: {  	_ =	shalt  }
0x63: {  	_ =	shalt  }
0x64: {  	_ =	shalt  }
0x65: {  	_ =	shalt  }
0x66: {  	_ =	shalt  }
0x67: {  	_ =	shalt  }
0x68: {  	_ =	shalt  }
0x69: {  	_ =	shalt  }
0x6a: {  	_ =	shalt  }
0x6b: {  	_ =	shalt  }
0x6c: {  	_ =	shalt  }
0x6d: {  	_ =	shalt  }
0x6e: {  	_ =	shalt  }
0x6f: {  	_ =	shalt  }
0x70: {  	_ =	shalt  }
0x71: {  	_ =	shalt  }
0x72: {  	_ =	shalt  }
0x73: {  	_ =	shalt  }
0x74: {  	_ =	shalt  }
0x75: {  	_ =	shalt  }
0x76: {  	_ =	shalt  }
0x77: {  	_ =	shalt  }
0x78: {  	_ =	shalt  }
0x79: {  	_ =	shalt  }
0x7a: {  	_ =	shalt  }
0x7b: {  	_ =	shalt  }
0x7c: {  	_ =	shalt  }
0x7d: {  	_ =	shalt  }
0x7e: {  	_ =	shalt  }
0x7f: {  	_ =	shalt  }
0x80: {  	_ =	shalt  }
0x81: {  	_ =	shalt  }
0x82: {  	_ =	shalt  }
0x83: {  	_ =	shalt  }
0x84: {  	_ =	shalt  }
0x85: {  	_ =	shalt  }
0x86: {  	_ =	shalt  }
0x87: {  	_ =	shalt  }
.Lfunc_end0:
.L_simem_size_0:
called_computation_lowered:
.L_overlay_start_0:
0x88: {  	s2 =	sld [smem:$0x3FD9]  }
0x89: {  	s3 =	sld [smem:$0x3FFE];
	_ =	sdelay $0x1  }
0x8a: {  	s1 =	srdreg.scid  }
0x8b: {  	s0 =	sand.u32 $0x1, s1  }
0x8c: {  	s16 =	sshll.u32 s0, $0xA;
	s2 =	sadd.s32 s3, s2  }
0x8d: {  	s2 =	sadd.s32 s2, s16  }
0x8e: {  	[smem:$0x3FBF] =	sst s2  }
0x8f: {  	_ = 	snop  }
0x90: {  	(tm) =	ssettm $0x1  }
0x91: {  	s17 =	sld [smem:$0x3FFB];
	_ =	sdelay $0x3  }
0x92: {  	_ =	strace s17  }
0x93: {  	s2 =	sld [smem:$0x3FFC];
	_ =	sdelay $0x3  }
0x94: {  	_ =	strace s2  }
0x95: {  	s2 =	sld [smem:$0x3FFD];
	_ =	sdelay $0x3  }
0x96: {  	_ =	strace s2  }
0x97: {  	_ =	strace $0x8FFFFFFF  }
0x98: {  	s18 =	sld [smem:$0x3FDB];
	_ =	sdelay $0x1  }
0x99: {  	s19 =	simm.s32 $_scs_section_size  }
0x9a: {  	s4 =	simm.s32 $_size__tile_overlayer_lowered;
	s5 =	simm.s32 $_tile_overlayer_lowered  }
0x9b: {  	s22 =	simm.s32 $0x1BFF;
	s21 =	sshll.u32 s5, $0x1;
	s2 =	sadd.s32 s19, s18  }
0x9c: {  	s6 =	simm.s32 $0x0;
	s20 =	sshll.u32 s4, $0x1;
	s4 =	sadd.s32 s21, s2  }
0x9d: {  	[timem:s6], [sflag:s22] =	dma.local [hbm:s4], s20  }
0x9e: {  	_ =	swait.ge [sflag:s22], s20  }
0x9f: {  	s3 =	ssub.s32 $0x0, s20;
	[sflag:s22] =	ssyncset.done $0x0  }
0xa0: {  	[sflag:s22] =	ssyncadd.s32 s3;
	_ =	sdelay $0x1  }
0xa1: {  	s23 =	simm.s32 $0x1B8B  }
0xa2: {  	_ =	swait.ge [sflag:s23], $0x1  }
0xa3: {  	[sflag:s23] =	ssyncset.done $0x0  }
0xa4: {  	s25 =	simm.s32 $0x1B8E;
	s24 =	sld [smem:$0x3FFE];
	[sflag:s23] =	ssyncadd.s32 $0xFFFFFFFF  }
0xa5: {  	s26 =	simm.s32 $execute0_lowered;
	[smem:$0x3FD2] =	sst s25  }
0xa6: {  	s4 =	sshll.u32 s26, $0x1;
	_ =	strace $0x80000046;
	[dreg:$0x1] =	wrdreg $0xFFFFFFFF  }
0xa7: {  	s28 =	simm.s32 $_size_execute0_lowered;
	s2 =	sadd.s32 s2, s4;
	[dreg:$0x0] =	wrdreg $0x0  }
0xa8: {  	s4 =	sshll.u32 s28, $0x1;
	[dreg:$0x2] =	wrdreg s2  }
0xa9: {  	[dreg:$0x3] =	wrdreg s4  }
0xaa: {  	[dreg:$0x4] =	wrdreg $0xC0  }
0xab: {  	_ =	task [dreg:s6], $0x5FFFF  }
0xac: {  	[dreg:$0x1] =	wrdreg $0xFFFFFFFF  }
0xad: {  	[dreg:$0x0] =	wrdreg $0x60  }
0xae: {  	[dreg:$0x2] =	wrdreg s24  }
0xaf: {  	[dreg:$0x3] =	wrdreg $0x9  }
0xb0: {  	_ =	task.clear_ibuf [dreg:s6], $0x4FFFF;
	_ =	strace $0x90000046  }
0xb1: {  	s29 =	simm.s32 $0x9;
	_ =	strace $0x80000048  }
0xb2: {  	_ =	swait.ge [sflag:s29], $0x1  }
0xb3: {  	[sflag:s29] =	ssyncadd.s32 $0xFFFFFFFF  }
0xb4: {  	_ =	strace $0x90000048  }
0xb5: {  	_ =	sfence  }
0xb6: {  	s30 =	sld [smem:$0x0];
	_ =	sdelay $0x2  }
0xb7: {  	s31 =	sshll.u32 s1, $0xD;
	s1 =	sshrl.u32 s1, $0x2  }
0xb8: {  	s3 =	sand.u32 $0x4000, s31;
	s1 =	sadd.s32 s1, s30  }
0xb9: {  	s0 =	sor.u32 s3, s0;
	s1 =	sshll.u32 s1, $0x11  }
0xba: {  	s0 =	sor.u32 s1, s0  }
0xbb: {  	s0 =	sadd.s32 $0x8F2B, s0  }
0xbc: {  	[sflag:s0] =	ssyncadd.remote.s32 $0x1  }
0xbd: {  	_ =	sfence.sel $0xFFFF  }
0xbe: {  	[dreg:$0x0] =	wrdreg $0xFFFFFFFF;
	(pc) =	sbr.abs _section_cstart, $3  }
0xbf: {  	[dreg:$0x1] =	wrdreg $0xFFFFFFFF  }
0xc0: {  	_ =	task.clear_ibuf [dreg:s6], $0x2FFFF;
	_ =	strace $0x9FFFFFFF  }
0xc1: {  	(tm) =	ssettm $0x7FFFFFFF  }
tec
execute0_lowered:
.L_overlay_start_1:
0x0: {  	(tag) =	ssettag $0x1  }
0x1: {  	s1 =	srdreg.scid;
	s0 =	stileid.u32  }
0x2: {  	s4 =	rddreg [dreg:$0x0];
	s2 =	simm.s32 $0x0;
	s7 =	simm.s32 $0x1  }
0x3: {  	s8 =	simm.s32 $0x2780;
	s3 =	sand.u32 $0x1, s1;
	s30 =	sshll.u32 s0, $0x1  }
0x4: {  	s9 =	simm.s32 $0x4F00;
	s5 =	sor.u32 s3, s30;
	s3 =	ssub.s32 $0x2, s3  }
0x5: {  	s1 =	rddreg [dreg:$0x1];
	s5 =	smul.u32 $0x4E2, s5;
	s31 =	sshrl.u32 s3, $0x1  }
0x6: {  	s10 =	simm.s32 $0x0;
	[smem:$0x7FF] =	sst s2;
	s6 =	ssub.s32 s3, s31  }
0x7: {  	_ =	strace $0x80000047;
	s5 =	sadd.s32 s5, s4;
	s6 =	smax.u32 s6, $0x1  }
0x8: {  	v0 =	vimm.f32 $0.0e+00;
	v1 =	vimm.f32 $1.000000000e+00;
	s3 =	sadd.s32 $0xA600, s5;
	s4 =	sadd.s32 $0x800, s5;
	s5 =	sadd.s32 $0x14400, s5  }
.LBB2_1:
0x9: {  	[tilespmem:s2], [sflag:$0x1] =	stream.linear.gather [hbm4b:s3+s2], $0x2710, $0x38;
	[tilespmem:$0x7680] =	vst v63  }
0xa: {  	_ =	swait.ge [sflag:s7], $0x2710  }
0xb: {  	[sflag:s7] =	ssyncset.done $0x0  }
0xc: {  	[sflag:s7] =	ssyncadd.s32 $0xFFFFD8F0  }
0xd: {  	[tilespmem:s8], [sflag:$0x1] =	stream.linear.gather [hbm4b:s4+s2], $0x2710, $0x38;
	[tilespmem:$0x7680] =	vst v63  }
0xe: {  	_ =	swait.ge [sflag:s7], $0x2710  }
0xf: {  	[sflag:s7] =	ssyncset.done $0x0  }
0x10: {  	s11 =	simm.s32 $0x4F40;
	[sflag:s7] =	ssyncadd.s32 $0xFFFFD8F0  }
0x11: {  	[tilespmem:s11+$0xFFFFFFC0] =	vst v0  }
0x12: {  	[tilespmem:s11+$0x30] =	vst v0  }
0x13: {  	[tilespmem:s11+$0x20] =	vst v0  }
0x14: {  	[tilespmem:s11+$0x10] =	vst v0  }
0x15: {  	[tilespmem:s11+$0x0] =	vst v0  }
0x16: {  	[tilespmem:s11+$0xFFFFFFF0] =	vst v0  }
0x17: {  	s12 =	simm.s32 $0x0;
	[tilespmem:s11+$0xFFFFFFE0] =	vst v0  }
.LBB2_2:
0x18: {  	s12 =	sadd.s32 $0x8, s12;
	[tilespmem:s11+$0xFFFFFFD0] =	vst v0;
	s11 =	sadd.s32 $0x80, s11  }
0x19: {  	[tilespmem:s11+$0xFFFFFFC0] =	vst v0;
	p0 =	slt.u32 s12, $0x268  }
0x1a: {  	[tilespmem:s11+$0x30] =	vst v0  }
.Ltmp0:
0x1b: {  	[tilespmem:s11+$0x20] =	vst v0;
	(pc) =	sbr.rel @p0 .LBB2_2-.Ltmp0, $4  }
0x1c: {  	[tilespmem:s11+$0x10] =	vst v0  }
0x1d: {  	[tilespmem:s11+$0x0] =	vst v0  }
0x1e: {  	[tilespmem:s11+$0xFFFFFFF0] =	vst v0  }
0x1f: {  	[tilespmem:s11+$0xFFFFFFE0] =	vst v0  }
0x20: {  	[tilespmem:s11+$0xFFFFFFD0] =	vst v0  }
0x21: {  	s11 =	simm.s32 $0xFFFFFFF0;
	s12 =	simm.s32 $0x2800;
	s13 =	simm.s32 $0x80;
	[tilespmem:$0x7600] =	vst v0  }
.LBB2_4:
0x22: {  	v2 =	vld [tilespmem:s13+$0xFFFFFF80]  }
0x23: {  	v3 =	vld [tilespmem:s12+$0xFFFFFF80];
	_ =	sdelay $0x4  }
0x24: {  	vm0 =	vne.s32 v2, v3;
	_ =	sdelay $0x5  }
0x25: {  	[tilespmem:v2+s9+$0x0] =	vst.idx.add.f32.msk vm0, v1  }
0x26: {  	v2 =	vld [tilespmem:s13+$0xFFFFFF90]  }
0x27: {  	v3 =	vld [tilespmem:s12+$0xFFFFFF90];
	_ =	sdelay $0x4  }
0x28: {  	vm13 =	vne.s32 v2, v3;
	_ =	sdelay $0x5  }
0x29: {  	[tilespmem:v2+s9+$0x0] =	vst.idx.add.f32.msk vm13, v1  }
0x2a: {  	v2 =	vld [tilespmem:s13+$0xFFFFFFA0]  }
0x2b: {  	v3 =	vld [tilespmem:s12+$0xFFFFFFA0];
	_ =	sdelay $0x4  }
0x2c: {  	vm14 =	vne.s32 v2, v3;
	_ =	sdelay $0x5  }
0x2d: {  	[tilespmem:v2+s9+$0x0] =	vst.idx.add.f32.msk vm14, v1  }
0x2e: {  	v2 =	vld [tilespmem:s13+$0xFFFFFFB0]  }
0x2f: {  	v3 =	vld [tilespmem:s12+$0xFFFFFFB0];
	_ =	sdelay $0x4  }
0x30: {  	vm15 =	vne.s32 v2, v3;
	_ =	sdelay $0x5  }
0x31: {  	[tilespmem:v2+s9+$0x0] =	vst.idx.add.f32.msk vm15, v1  }
0x32: {  	v2 =	vld [tilespmem:s13+$0xFFFFFFC0]  }
0x33: {  	v3 =	vld [tilespmem:s12+$0xFFFFFFC0];
	_ =	sdelay $0x4  }
0x34: {  	vm4 =	vne.s32 v2, v3;
	_ =	sdelay $0x5  }
0x35: {  	[tilespmem:v2+s9+$0x0] =	vst.idx.add.f32.msk vm4, v1  }
0x36: {  	v2 =	vld [tilespmem:s13+$0xFFFFFFD0]  }
0x37: {  	v3 =	vld [tilespmem:s12+$0xFFFFFFD0];
	_ =	sdelay $0x4  }
0x38: {  	vm5 =	vne.s32 v2, v3;
	_ =	sdelay $0x5  }
0x39: {  	[tilespmem:v2+s9+$0x0] =	vst.idx.add.f32.msk vm5, v1  }
0x3a: {  	v2 =	vld [tilespmem:s13+$0xFFFFFFE0]  }
0x3b: {  	v3 =	vld [tilespmem:s12+$0xFFFFFFE0];
	_ =	sdelay $0x4  }
0x3c: {  	vm6 =	vne.s32 v2, v3;
	_ =	sdelay $0x5  }
0x3d: {  	[tilespmem:v2+s9+$0x0] =	vst.idx.add.f32.msk vm6, v1  }
0x3e: {  	v2 =	vld [tilespmem:s13+$0xFFFFFFF0]  }
0x3f: {  	v3 =	vld [tilespmem:s12+$0xFFFFFFF0];
	_ =	sdelay $0x4  }
0x40: {  	vm7 =	vne.s32 v2, v3;
	_ =	sdelay $0x5  }
0x41: {  	[tilespmem:v2+s9+$0x0] =	vst.idx.add.f32.msk vm7, v1  }
0x42: {  	v2 =	vld [tilespmem:s13+$0x0]  }
0x43: {  	v3 =	vld [tilespmem:s12+$0x0];
	_ =	sdelay $0x4  }
0x44: {  	vm8 =	vne.s32 v2, v3;
	_ =	sdelay $0x5  }
0x45: {  	[tilespmem:v2+s9+$0x0] =	vst.idx.add.f32.msk vm8, v1  }
0x46: {  	v2 =	vld [tilespmem:s13+$0x10]  }
0x47: {  	v3 =	vld [tilespmem:s12+$0x10];
	_ =	sdelay $0x4  }
0x48: {  	vm9 =	vne.s32 v2, v3;
	_ =	sdelay $0x5  }
0x49: {  	[tilespmem:v2+s9+$0x0] =	vst.idx.add.f32.msk vm9, v1  }
0x4a: {  	v2 =	vld [tilespmem:s13+$0x20]  }
0x4b: {  	v3 =	vld [tilespmem:s12+$0x20];
	_ =	sdelay $0x4  }
0x4c: {  	vm10 =	vne.s32 v2, v3;
	_ =	sdelay $0x5  }
0x4d: {  	[tilespmem:v2+s9+$0x0] =	vst.idx.add.f32.msk vm10, v1  }
0x4e: {  	v2 =	vld [tilespmem:s13+$0x30]  }
0x4f: {  	v3 =	vld [tilespmem:s12+$0x30];
	_ =	sdelay $0x4  }
0x50: {  	vm11 =	vne.s32 v2, v3;
	_ =	sdelay $0x5  }
0x51: {  	[tilespmem:v2+s9+$0x0] =	vst.idx.add.f32.msk vm11, v1  }
0x52: {  	v2 =	vld [tilespmem:s13+$0x40]  }
0x53: {  	v3 =	vld [tilespmem:s12+$0x40];
	_ =	sdelay $0x4  }
0x54: {  	vm12 =	vne.s32 v2, v3;
	_ =	sdelay $0x5  }
0x55: {  	[tilespmem:v2+s9+$0x0] =	vst.idx.add.f32.msk vm12, v1  }
0x56: {  	v2 =	vld [tilespmem:s13+$0x50]  }
0x57: {  	v3 =	vld [tilespmem:s12+$0x50];
	_ =	sdelay $0x4  }
0x58: {  	vm13 =	vne.s32 v2, v3;
	_ =	sdelay $0x5  }
0x59: {  	[tilespmem:v2+s9+$0x0] =	vst.idx.add.f32.msk vm13, v1  }
0x5a: {  	v2 =	vld [tilespmem:s13+$0x60]  }
0x5b: {  	v3 =	vld [tilespmem:s12+$0x60];
	_ =	sdelay $0x4  }
0x5c: {  	vm14 =	vne.s32 v2, v3;
	_ =	sdelay $0x5  }
0x5d: {  	[tilespmem:v2+s9+$0x0] =	vst.idx.add.f32.msk vm14, v1  }
0x5e: {  	v2 =	vld [tilespmem:s13+$0x70]  }
0x5f: {  	v3 =	vld [tilespmem:s12+$0x70];
	_ =	sdelay $0x4  }
0x60: {  	s11 =	sadd.s32 $0x10, s11;
	vm15 =	vne.s32 v2, v3  }
0x61: {  	p0 =	slt.u32 s11, $0x260  }
.Ltmp1:
0x62: {  	_ = 	snop;
	(pc) =	sbr.rel @p0 .LBB2_4-.Ltmp1, $2  }
0x63: {  	_ =	sdelay $0x2  }
0x64: {  	s12 =	sadd.s32 $0x100, s12;
	s13 =	sadd.s32 $0x100, s13;
	[tilespmem:v2+s9+$0x0] =	vst.idx.add.f32.msk vm15, v1  }
0x65: {  	v2 =	vld [tilespmem:$0x2700]  }
0x66: {  	v3 =	vld [tilespmem:$0x4E80];
	_ =	sdelay $0x4  }
0x67: {  	vm0 =	vne.s32 v2, v3;
	_ =	sdelay $0x3  }
0x68: {  	s10 =	sadd.s32 $0x1, s10  }
0x69: {  	p0 =	sne.s32 s10, s6  }
.Ltmp2:
0x6a: {  	[tilespmem:v2+s9+$0x0] =	vst.idx.add.f32.msk vm0, v1;
	(pc) =	sbr.rel @p0 .LBB2_1-.Ltmp2, $4  }
0x6b: {  	[hbm4b:s5+s2] =	stream.linear.scatter [tilespmem:s9], [sflag:$0x1], $0x2710, $0x38;
	[tilespmem:$0x7680] =	vst v63  }
0x6c: {  	_ =	swait.ge [sflag:s7], $0x2710  }
0x6d: {  	[sflag:s7] =	ssyncset.done $0x0  }
0x6e: {  	[sflag:s7] =	ssyncadd.s32 $0xFFFFD8F0  }
0x6f: {  	_ =	sfence.sel $0x180000  }
0x70: {  	[bflag:$0x0] =	sbarrier.arrive $0xFFFF  }
0x71: {  	p0 =	sne.s32 s0, $0x0;
	_ =	strace $0x90000047  }
0x72: {  	s0 =	sadd.s32 @!p0 $0x100000, s1;
	[bflag:$0x2] =	sbarrier.arrive $0xFFFF  }
0x73: {  	[sflag:s0] =	ssyncadd.tile.s32 @!p0 $0x1;
	_ =	shalt  }
.Lfunc_end2:
_tile_overlayer_lowered:
.L_overlay_start_2:
0x74: {  	(tag) =	ssettag $0x2  }
0x75: {  	s0 =	rddreg [dreg:$0x0];
	s2 =	stileid.u32  }
0x76: {  	s1 =	rddreg [dreg:$0x1];
	p0 =	sne.s32 s2, $0x0  }
0x77: {  	s3 =	rddreg [dreg:$0x2];
	[bflag:$0x3] =	sbarrier.arrive $0xFFFF;
	s2 =	simm.s32 @!p0 $0x1C01  }
0x78: {  	[timem:s3], [sflag:s2] =	dma.local @!p0 [hbm:s0], s1  }
0x79: {  	s0 =	simm.s32 @!p0 $0x1  }
0x7a: {  	_ =	swait.ge @!p0 [sflag:s0], s1  }
0x7b: {  	s1 =	ssub.s32 @!p0 $0x0, s1;
	[sflag:s0] =	ssyncset.done @!p0 $0x0  }
0x7c: {  	[sflag:s0] =	ssyncadd.s32 @!p0 s1  }
0x7d: {  	[bflag:$0x3] =	sbarrier.arrive $0xFFFF  }
0x7e: {  	_ =	shalt  }

</sc_bundles>
